<compile_context>
chip_gen: v7x
topology: tpu7x:2x2x1
jax: 0.10.2.dev20260603
libtpu: 0.0.44.dev20260713+nightly
codegen_flags: <defaults>
</compile_context>

<pallas_src>
import functools

import jax
import jax.numpy as jnp
from jax import lax
from jax.experimental import pallas as pl
from jax.experimental.pallas import tpu as pltpu
from jax.experimental.pallas import tpu_sc as plsc

N = 10000
E = 320000
D = 128
NC = 2
NS = 16
NW = NC * NS
K = 80
S0 = 152
S1 = 100
C1OFF = NS * S0
PAD_E = NW * K * (S0 + S1) // 2
DK = 128
DSTEPS = 80
DPAD_E = NW * DK * DSTEPS
ACC_ROWS = 10240
ZROWS = ACC_ROWS // NS

def _sc_mesh():
    return plsc.VectorSubcoreMesh(core_axis_name="c", subcore_axis_name="s")


def _deg_body(dst_hbm, ones_hbm, zeros_hbm, out_hbm, dst_all, ones_v, acc_sh, sem):
    cid = lax.axis_index("c")
    sid = lax.axis_index("s")
    wid = cid * NS + sid
    pltpu.sync_copy(zeros_hbm, acc_sh.at[pl.ds(sid * ZROWS, ZROWS)])
    pltpu.sync_copy(ones_hbm, ones_v)
    pltpu.sync_copy(dst_hbm.at[wid], dst_all)
    plsc.subcore_barrier()

    @pl.loop(0, DSTEPS)
    def _(i):
        pltpu.sync_copy(ones_v, acc_sh.at[dst_all.at[i]], add=True)

    plsc.subcore_barrier()
    pltpu.sync_copy(acc_sh.at[pl.ds(sid * ZROWS, ZROWS)],
                    out_hbm.at[cid, pl.ds(sid * ZROWS, ZROWS)])


def _deg_kernel(dst3, ones, zerosD):
    return pl.kernel(
        _deg_body, mesh=_sc_mesh(),
        out_type=jax.ShapeDtypeStruct((NC, ACC_ROWS, D), jnp.float32),
        scratch_types=[
            pltpu.VMEM((DSTEPS, DK), jnp.int32),
            pltpu.VMEM((DK, D), jnp.float32),
            pltpu.VMEM_SHARED((ACC_ROWS, D), jnp.float32),
            pltpu.SemaphoreType.DMA,
        ],
    )(dst3, ones, zerosD)


def _segsum_body(g_hbm, src_hbm, dst_hbm, zeros_hbm, out_hbm,
                 src_a, dst_a, src_b, dst_b, rows_a, rows_b, acc_sh,
                 sem_a, sem_b):
    cid = lax.axis_index("c")
    sid = lax.axis_index("s")
    wid = cid * NS + sid
    pltpu.sync_copy(zeros_hbm, acc_sh.at[pl.ds(sid * ZROWS, ZROWS)])
    plsc.subcore_barrier()
    msteps = jnp.where(cid == 0, S0, S1)
    base = jnp.where(cid == 0, sid * S0, C1OFF + sid * S1) * K
    pltpu.sync_copy(src_hbm.at[pl.ds(base, K)], src_a)
    pltpu.sync_copy(dst_hbm.at[pl.ds(base, K)], dst_a)
    pltpu.async_copy(g_hbm.at[src_a], rows_a, sem_a)

    @pl.loop(0, S0, step=2)
    def _(i):
        @pl.when(i < msteps)
        def _():
            pltpu.sync_copy(src_hbm.at[pl.ds(base + (i + 1) * K, K)], src_b)
            pltpu.sync_copy(dst_hbm.at[pl.ds(base + (i + 1) * K, K)], dst_b)
            pltpu.async_copy(g_hbm.at[src_b], rows_b, sem_b)
            pltpu.make_async_copy(g_hbm.at[src_a], rows_a, sem_a).wait()
            pltpu.sync_copy(rows_a, acc_sh.at[dst_a], add=True)

            @pl.when(i + 2 < msteps)
            def _():
                pltpu.sync_copy(src_hbm.at[pl.ds(base + (i + 2) * K, K)], src_a)
                pltpu.sync_copy(dst_hbm.at[pl.ds(base + (i + 2) * K, K)], dst_a)
                pltpu.async_copy(g_hbm.at[src_a], rows_a, sem_a)

            pltpu.make_async_copy(g_hbm.at[src_b], rows_b, sem_b).wait()
            pltpu.sync_copy(rows_b, acc_sh.at[dst_b], add=True)

    plsc.subcore_barrier()
    pltpu.sync_copy(acc_sh.at[pl.ds(sid * ZROWS, ZROWS)],
                    out_hbm.at[cid, pl.ds(sid * ZROWS, ZROWS)])


def _segsum_kernel(g, src, dst, zerosD):
    return pl.kernel(
        _segsum_body, mesh=_sc_mesh(),
        out_type=jax.ShapeDtypeStruct((NC, ACC_ROWS, D), jnp.float32),
        scratch_types=[
            pltpu.VMEM((K,), jnp.int32),
            pltpu.VMEM((K,), jnp.int32),
            pltpu.VMEM((K,), jnp.int32),
            pltpu.VMEM((K,), jnp.int32),
            pltpu.VMEM((K, D), jnp.float32),
            pltpu.VMEM((K, D), jnp.float32),
            pltpu.VMEM_SHARED((ACC_ROWS, D), jnp.float32),
            pltpu.SemaphoreType.DMA,
            pltpu.SemaphoreType.DMA,
        ],
    )(g, src, dst, zerosD)


_RB = 2000


def _mm_body(x_ref, w_ref, o_ref):
    o_ref[...] = jnp.dot(x_ref[...], w_ref[...],
                         preferred_element_type=jnp.float32)


def _matmul(x, W):
    return pl.pallas_call(
        _mm_body,
        grid=(N // _RB,),
        in_specs=[pl.BlockSpec((_RB, D), lambda i: (i, 0)),
                  pl.BlockSpec((D, D), lambda i: (0, 0))],
        out_specs=pl.BlockSpec((_RB, D), lambda i: (i, 0)),
        out_shape=jax.ShapeDtypeStruct((N, D), jnp.float32),
    )(x, W)


def _scale_body(degp_ref, h_ref, g_ref, dinv_ref):
    deg = degp_ref[0][:, :16] + degp_ref[1][:, :16] + 1.0
    dinv = lax.rsqrt(deg)
    dinv_ref[...] = dinv
    g_ref[...] = h_ref[...] * dinv[:, :1]


def _scale(deg_parts, h):
    return pl.pallas_call(
        _scale_body,
        grid=(N // _RB,),
        in_specs=[pl.BlockSpec((NC, _RB, D), lambda i: (0, i, 0)),
                  pl.BlockSpec((_RB, D), lambda i: (i, 0))],
        out_specs=[pl.BlockSpec((_RB, D), lambda i: (i, 0)),
                   pl.BlockSpec((_RB, 16), lambda i: (i, 0))],
        out_shape=[jax.ShapeDtypeStruct((N, D), jnp.float32),
                   jax.ShapeDtypeStruct((N, 16), jnp.float32)],
    )(deg_parts, h)


def _mid_body(acc_ref, h1_ref, dinv_ref, b1_ref, w2_ref, g2_ref, h2_ref):
    dinv = dinv_ref[...][:, :1]
    out1 = dinv * (acc_ref[0] + acc_ref[1]) \
        + (dinv * dinv) * h1_ref[...] + b1_ref[...]
    h = jnp.maximum(out1, 0.0)
    h2 = jnp.dot(h, w2_ref[...], preferred_element_type=jnp.float32)
    h2_ref[...] = h2
    g2_ref[...] = h2 * dinv


def _mid(acc1, h1, dinv, b1, W2):
    return pl.pallas_call(
        _mid_body,
        grid=(N // _RB,),
        in_specs=[pl.BlockSpec((NC, _RB, D), lambda i: (0, i, 0)),
                  pl.BlockSpec((_RB, D), lambda i: (i, 0)),
                  pl.BlockSpec((_RB, 16), lambda i: (i, 0)),
                  pl.BlockSpec((1, D), lambda i: (0, 0)),
                  pl.BlockSpec((D, D), lambda i: (0, 0))],
        out_specs=[pl.BlockSpec((_RB, D), lambda i: (i, 0)),
                   pl.BlockSpec((_RB, D), lambda i: (i, 0))],
        out_shape=[jax.ShapeDtypeStruct((N, D), jnp.float32),
                   jax.ShapeDtypeStruct((N, D), jnp.float32)],
    )(acc1, h1, dinv, b1, W2)


def _post_body(acc_ref, h2_ref, dinv_ref, b2_ref, out_ref):
    dinv = dinv_ref[...][:, :1]
    out_ref[...] = dinv * (acc_ref[0] + acc_ref[1]) \
        + (dinv * dinv) * h2_ref[...] + b2_ref[...]


def _post(acc2, h2, dinv, b2):
    return pl.pallas_call(
        _post_body,
        grid=(N // _RB,),
        in_specs=[pl.BlockSpec((NC, _RB, D), lambda i: (0, i, 0)),
                  pl.BlockSpec((_RB, D), lambda i: (i, 0)),
                  pl.BlockSpec((_RB, 16), lambda i: (i, 0)),
                  pl.BlockSpec((1, D), lambda i: (0, 0))],
        out_specs=pl.BlockSpec((_RB, D), lambda i: (i, 0)),
        out_shape=jax.ShapeDtypeStruct((N, D), jnp.float32),
    )(acc2, h2, dinv, b2)


def kernel(x, edge_index, W1, b1, W2, b2):
    ei = edge_index.astype(jnp.int32)
    pad = PAD_E - E
    src = jnp.concatenate([ei[0], jnp.zeros((pad,), jnp.int32)])
    dst = jnp.concatenate(
        [ei[1], N + (jnp.arange(pad, dtype=jnp.int32) % (ACC_ROWS - N))])
    dpad = DPAD_E - E
    dst3 = jnp.concatenate(
        [ei[1], N + (jnp.arange(dpad, dtype=jnp.int32) % (ACC_ROWS - N))]) \
        .reshape(NW, DSTEPS, DK)
    ones = jnp.ones((DK, D), jnp.float32)
    zerosD = jnp.zeros((ZROWS, D), jnp.float32)
    b1r = b1.reshape(1, D)
    b2r = b2.reshape(1, D)

    deg_parts = _deg_kernel(dst3, ones, zerosD)
    h1 = _matmul(x, W1)
    g1, dinv = _scale(deg_parts, h1)
    acc1 = _segsum_kernel(g1, src, dst, zerosD)
    g2, h2 = _mid(acc1, h1, dinv, b1r, W2)
    acc2 = _segsum_kernel(g2, src, dst, zerosD)
    return _post(acc2, h2, dinv, b2r)

# --- scband reference (transcript-rebuilt; emitter-appended) ---
"""Pipeline reference for scband-gcn-7301444403486 (READ-ONLY COPY).

The authoritative reference and input builder live on the scoring server;
editing this copy changes nothing except your own understanding.
"""

import jax, jax.numpy as jnp
import numpy as np

N_NODES = 10000
N_EDGES = 320000
D = 128


def setup_inputs(seed: int = 0) -> dict:
    key = jax.random.key(seed)
    k1, k2, k3, k4, k5, k6 = jax.random.split(key, 6)
    x = jax.random.normal(k1, (N_NODES, D), dtype=jnp.float32)
    edge_index = jax.random.randint(k2, (2, N_EDGES), 0, N_NODES, dtype=jnp.int64)
    s = 1.0 / np.sqrt(D)
    W1 = jax.random.uniform(k3, (D, D), dtype=jnp.float32, minval=-s, maxval=s)
    b1 = jax.random.uniform(k4, (D,), dtype=jnp.float32, minval=-s, maxval=s)
    W2 = jax.random.uniform(k5, (D, D), dtype=jnp.float32, minval=-s, maxval=s)
    b2 = jax.random.uniform(k6, (D,), dtype=jnp.float32, minval=-s, maxval=s)
    return {"x": x, "edge_index": edge_index, "W1": W1, "b1": b1, "W2": W2, "b2": b2}


def _gcn_conv(x, src, dst, num_nodes, W, b):
    # GCNConv: x' = D^{-1/2} (A + I) D^{-1/2} (x @ W) + b, self-loops already in src/dst
    h = x @ W
    ones = jnp.ones(src.shape[0], dtype=x.dtype)
    deg = jax.ops.segment_sum(ones, dst, num_segments=num_nodes)
    dinv = jnp.where(deg > 0, 1.0 / jnp.sqrt(deg), 0.0)
    norm = dinv[src] * dinv[dst]
    msg = h[src] * norm[:, None]
    out = jax.ops.segment_sum(msg, dst, num_segments=num_nodes)
    return out + b


def reference(x, edge_index, W1, b1, W2, b2):
    num_nodes = x.shape[0]
    loop = jnp.arange(num_nodes, dtype=edge_index.dtype)
    src = jnp.concatenate([edge_index[0], loop])
    dst = jnp.concatenate([edge_index[1], loop])
    h = _gcn_conv(x, src, dst, num_nodes, W1, b1)
    h = jax.nn.relu(h)
    out = _gcn_conv(h, src, dst, num_nodes, W2, b2)
    return out

if __name__ == "__main__":
    import jax
    _d = setup_inputs()
    print(jax.jit(kernel)(*tuple(_d.values())))

</pallas_src>

<mosaic_0001>
#map = affine_map<(d0, d1) -> (0, 0, 0)>
#map1 = affine_map<(d0, d1) -> (0, 0)>
module attributes {stable_mosaic.version = 14 : i64} {
  func.func @_deg_body(%arg0: i32, %arg1: i32, %arg2: memref<32x80x128xi32, #tpu.memory_space<hbm>>, %arg3: memref<128x128xf32, #tpu.memory_space<hbm>>, %arg4: memref<640x128xf32, #tpu.memory_space<hbm>>, %arg5: memref<2x10240x128xf32, #tpu.memory_space<hbm>>, %arg6: memref<80x128xi32, #tpu.memory_space<vmem>>, %arg7: memref<128x128xf32, #tpu.memory_space<vmem>>, %arg8: memref<10240x128xf32, #tpu.memory_space<vmem_shared>>, %arg9: memref<!tpu.dma_semaphore, #tpu.memory_space<semaphore_mem>>) attributes {dimension_semantics = [#tpu.dimension_semantics<core_parallel>, #tpu.dimension_semantics<subcore_parallel>], iteration_bounds = array<i64: 2, 16>, scalar_prefetch = 0 : i64, scratch_operands = 4 : i64, tpu.core_type = #tpu.core_type<sc_vector_subcore>, window_params = [{transform_indices = #map}, {transform_indices = #map1}, {transform_indices = #map1}, {transform_indices = #map}]} {
    %mul3A = arith.constant 16 : i32
    %mul3A_0 = arith.muli %arg0, %mul3A : i32
    %add3A = arith.addi %mul3A_0, %arg1 : i32
    %mul3A_1 = arith.constant 640 : i32
    %mul3A_2 = arith.muli %arg1, %mul3A_1 : i32
    "tpu.region"() ({
      %run_scoped3A = tpu.sem_alloc : memref<!tpu.dma_semaphore, #tpu.memory_space<semaphore_mem>>
      %dma_start3A = arith.constant 0 : i32
      %dma_start3A_12 = tpu.memref_slice %arg8[%mul3A_2, %dma_start3A] : memref<10240x128xf32, #tpu.memory_space<vmem_shared>> -> memref<640x128xf32, #tpu.memory_space<vmem_shared>>
      tpu.enqueue_dma source(%arg4 : memref<640x128xf32, #tpu.memory_space<hbm>>) target(%dma_start3A_12 : memref<640x128xf32, #tpu.memory_space<vmem_shared>>) target_semaphore(%run_scoped3A : memref<!tpu.dma_semaphore, #tpu.memory_space<semaphore_mem>>)
      %dma_wait3A = arith.constant 0 : i32
      %dma_wait3A_13 = tpu.memref_slice %arg8[%mul3A_2, %dma_wait3A] : memref<10240x128xf32, #tpu.memory_space<vmem_shared>> -> memref<640x128xf32, #tpu.memory_space<vmem_shared>>
      tpu.wait_dma2 semaphore(%run_scoped3A : memref<!tpu.dma_semaphore, #tpu.memory_space<semaphore_mem>>) src(%arg4 : memref<640x128xf32, #tpu.memory_space<hbm>>) dst(%dma_wait3A_13 : memref<640x128xf32, #tpu.memory_space<vmem_shared>>)
      tpu.yield
    }) : () -> ()
    "tpu.region"() ({
      %run_scoped3A = tpu.sem_alloc : memref<!tpu.dma_semaphore, #tpu.memory_space<semaphore_mem>>
      tpu.enqueue_dma source(%arg3 : memref<128x128xf32, #tpu.memory_space<hbm>>) target(%arg7 : memref<128x128xf32, #tpu.memory_space<vmem>>) target_semaphore(%run_scoped3A : memref<!tpu.dma_semaphore, #tpu.memory_space<semaphore_mem>>)
      tpu.wait_dma2 semaphore(%run_scoped3A : memref<!tpu.dma_semaphore, #tpu.memory_space<semaphore_mem>>) src(%arg3 : memref<128x128xf32, #tpu.memory_space<hbm>>) dst(%arg7 : memref<128x128xf32, #tpu.memory_space<vmem>>)
      tpu.yield
    }) : () -> ()
    "tpu.region"() ({
      %run_scoped3A = tpu.sem_alloc : memref<!tpu.dma_semaphore, #tpu.memory_space<semaphore_mem>>
      %dma_start3A = arith.constant 0 : i32
      %dma_start3A_12 = arith.constant 0 : i32
      %dma_start3A_13 = tpu.memref_slice %arg2[%add3A, %dma_start3A, %dma_start3A_12] : memref<32x80x128xi32, #tpu.memory_space<hbm>> -> memref<1x80x128xi32, #tpu.memory_space<hbm>>
      %dma_start3A_14 = tpu.memref_squeeze %dma_start3A_13 : memref<1x80x128xi32, #tpu.memory_space<hbm>> -> memref<80x128xi32, #tpu.memory_space<hbm>>
      %dma_start3A_15 = arith.constant 0 : i32
      %dma_start3A_16 = arith.constant 0 : i32
      %dma_start3A_17 = tpu.memref_slice %arg2[%add3A, %dma_start3A_15, %dma_start3A_16] : memref<32x80x128xi32, #tpu.memory_space<hbm>> -> memref<1x80x128xi32, #tpu.memory_space<hbm>>
      %dma_start3A_18 = tpu.memref_squeeze %dma_start3A_17 : memref<1x80x128xi32, #tpu.memory_space<hbm>> -> memref<80x128xi32, #tpu.memory_space<hbm>>
      tpu.enqueue_dma source(%dma_start3A_18 : memref<80x128xi32, #tpu.memory_space<hbm>>) target(%arg6 : memref<80x128xi32, #tpu.memory_space<vmem>>) target_semaphore(%run_scoped3A : memref<!tpu.dma_semaphore, #tpu.memory_space<semaphore_mem>>)
      %dma_wait3A = arith.constant 0 : i32
      %dma_wait3A_19 = arith.constant 0 : i32
      %dma_wait3A_20 = tpu.memref_slice %arg2[%add3A, %dma_wait3A, %dma_wait3A_19] : memref<32x80x128xi32, #tpu.memory_space<hbm>> -> memref<1x80x128xi32, #tpu.memory_space<hbm>>
      %dma_wait3A_21 = tpu.memref_squeeze %dma_wait3A_20 : memref<1x80x128xi32, #tpu.memory_space<hbm>> -> memref<80x128xi32, #tpu.memory_space<hbm>>
      %dma_wait3A_22 = arith.constant 0 : i32
      %dma_wait3A_23 = arith.constant 0 : i32
      %dma_wait3A_24 = tpu.memref_slice %arg2[%add3A, %dma_wait3A_22, %dma_wait3A_23] : memref<32x80x128xi32, #tpu.memory_space<hbm>> -> memref<1x80x128xi32, #tpu.memory_space<hbm>>
      %dma_wait3A_25 = tpu.memref_squeeze %dma_wait3A_24 : memref<1x80x128xi32, #tpu.memory_space<hbm>> -> memref<80x128xi32, #tpu.memory_space<hbm>>
      tpu.wait_dma2 semaphore(%run_scoped3A : memref<!tpu.dma_semaphore, #tpu.memory_space<semaphore_mem>>) src(%dma_wait3A_25 : memref<80x128xi32, #tpu.memory_space<hbm>>) dst(%arg6 : memref<80x128xi32, #tpu.memory_space<vmem>>)
      tpu.yield
    }) : () -> ()
    %barrier3A = arith.constant 0 : index
    tpu.barrier barrier_id(%barrier3A)
    %scan3A = arith.constant 0 : i32
    %scan3A_3 = arith.constant 80 : i32
    %scan3A_4 = arith.addi %scan3A, %scan3A_3 : i32
    %scan3A_5 = arith.constant 1 : i32
    scf.for %scan3A_12 = %scan3A to %scan3A_4 step %scan3A_5  : i32 {
      %mul3A_13 = arith.constant 1 : i32
      %mul3A_14 = arith.muli %scan3A_12, %mul3A_13 : i32
      %add3A_15 = arith.constant 0 : i32
      %add3A_16 = arith.addi %add3A_15, %mul3A_14 : i32
      "tpu.region"() ({
        %run_scoped3A = tpu.sem_alloc : memref<!tpu.dma_semaphore, #tpu.memory_space<semaphore_mem>>
        %dma_start3A = arith.constant 0 : i32
        %dma_start3A_17 = tpu.memref_slice %arg6[%add3A_16, %dma_start3A] : memref<80x128xi32, #tpu.memory_space<vmem>> -> memref<1x128xi32, #tpu.memory_space<vmem>>
        %dma_start3A_18 = tpu.memref_squeeze %dma_start3A_17 : memref<1x128xi32, #tpu.memory_space<vmem>> -> memref<128xi32, #tpu.memory_space<vmem>>
        %dma_start3A_19 = arith.constant 0 : i32
        %dma_start3A_20 = arith.constant 0 : i32
        %dma_start3A_21 = tpu.memref_slice %arg8[%dma_start3A_19, %dma_start3A_20] : memref<10240x128xf32, #tpu.memory_space<vmem_shared>> -> memref<10240x128xf32, #tpu.memory_space<vmem_shared>>
        tpu.enqueue_indirect_dma source(%arg7 : memref<128x128xf32, #tpu.memory_space<vmem>>) target(%dma_start3A_21 : memref<10240x128xf32, #tpu.memory_space<vmem_shared>>) offsets(%dma_start3A_18 : memref<128xi32, #tpu.memory_space<vmem>>) semaphore(%run_scoped3A : memref<!tpu.dma_semaphore, #tpu.memory_space<semaphore_mem>>) {add = true}
        %dma_wait3A = arith.constant 0 : i32
        %dma_wait3A_22 = tpu.memref_slice %arg6[%add3A_16, %dma_wait3A] : memref<80x128xi32, #tpu.memory_space<vmem>> -> memref<1x128xi32, #tpu.memory_space<vmem>>
        %dma_wait3A_23 = tpu.memref_squeeze %dma_wait3A_22 : memref<1x128xi32, #tpu.memory_space<vmem>> -> memref<128xi32, #tpu.memory_space<vmem>>
        %dma_wait3A_24 = arith.constant 0 : i32
        %dma_wait3A_25 = arith.constant 0 : i32
        %dma_wait3A_26 = tpu.memref_slice %arg8[%dma_wait3A_24, %dma_wait3A_25] : memref<10240x128xf32, #tpu.memory_space<vmem_shared>> -> memref<10240x128xf32, #tpu.memory_space<vmem_shared>>
        tpu.wait_indirect_dma semaphore(%run_scoped3A : memref<!tpu.dma_semaphore, #tpu.memory_space<semaphore_mem>>) src(%arg7 : memref<128x128xf32, #tpu.memory_space<vmem>>) dst(%dma_wait3A_26 : memref<10240x128xf32, #tpu.memory_space<vmem_shared>>)
        tpu.yield
      }) : () -> ()
    }
    %scan3A_6 = arith.constant 80 : i32
    %barrier3A_7 = arith.constant 0 : index
    tpu.barrier barrier_id(%barrier3A_7)
    %mul3A_8 = arith.constant 640 : i32
    %mul3A_9 = arith.muli %arg1, %mul3A_8 : i32
    %mul3A_10 = arith.constant 640 : i32
    %mul3A_11 = arith.muli %arg1, %mul3A_10 : i32
    "tpu.region"() ({
      %run_scoped3A = tpu.sem_alloc : memref<!tpu.dma_semaphore, #tpu.memory_space<semaphore_mem>>
      %dma_start3A = arith.constant 0 : i32
      %dma_start3A_12 = tpu.memref_slice %arg5[%arg0, %mul3A_11, %dma_start3A] : memref<2x10240x128xf32, #tpu.memory_space<hbm>> -> memref<1x640x128xf32, #tpu.memory_space<hbm>>
      %dma_start3A_13 = tpu.memref_squeeze %dma_start3A_12 : memref<1x640x128xf32, #tpu.memory_space<hbm>> -> memref<640x128xf32, #tpu.memory_space<hbm>>
      %dma_start3A_14 = arith.constant 0 : i32
      %dma_start3A_15 = tpu.memref_slice %arg8[%mul3A_9, %dma_start3A_14] : memref<10240x128xf32, #tpu.memory_space<vmem_shared>> -> memref<640x128xf32, #tpu.memory_space<vmem_shared>>
      tpu.enqueue_dma source(%dma_start3A_15 : memref<640x128xf32, #tpu.memory_space<vmem_shared>>) target(%dma_start3A_13 : memref<640x128xf32, #tpu.memory_space<hbm>>) target_semaphore(%run_scoped3A : memref<!tpu.dma_semaphore, #tpu.memory_space<semaphore_mem>>)
      %dma_wait3A = arith.constant 0 : i32
      %dma_wait3A_16 = tpu.memref_slice %arg5[%arg0, %mul3A_11, %dma_wait3A] : memref<2x10240x128xf32, #tpu.memory_space<hbm>> -> memref<1x640x128xf32, #tpu.memory_space<hbm>>
      %dma_wait3A_17 = tpu.memref_squeeze %dma_wait3A_16 : memref<1x640x128xf32, #tpu.memory_space<hbm>> -> memref<640x128xf32, #tpu.memory_space<hbm>>
      %dma_wait3A_18 = arith.constant 0 : i32
      %dma_wait3A_19 = tpu.memref_slice %arg8[%mul3A_9, %dma_wait3A_18] : memref<10240x128xf32, #tpu.memory_space<vmem_shared>> -> memref<640x128xf32, #tpu.memory_space<vmem_shared>>
      tpu.wait_dma2 semaphore(%run_scoped3A : memref<!tpu.dma_semaphore, #tpu.memory_space<semaphore_mem>>) src(%dma_wait3A_19 : memref<640x128xf32, #tpu.memory_space<vmem_shared>>) dst(%dma_wait3A_17 : memref<640x128xf32, #tpu.memory_space<hbm>>)
      tpu.yield
    }) : () -> ()
    return
  }
}

#map = affine_map<(d0, d1) -> (0, 0)>
#map1 = affine_map<(d0, d1) -> (0)>
#map2 = affine_map<(d0, d1) -> (0, 0, 0)>
module attributes {stable_mosaic.version = 14 : i64} {
  func.func @_segsum_body(%arg0: i32, %arg1: i32, %arg2: memref<10000x128xf32, #tpu.memory_space<hbm>>, %arg3: memref<322560xi32, #tpu.memory_space<hbm>>, %arg4: memref<322560xi32, #tpu.memory_space<hbm>>, %arg5: memref<640x128xf32, #tpu.memory_space<hbm>>, %arg6: memref<2x10240x128xf32, #tpu.memory_space<hbm>>, %arg7: memref<80xi32, #tpu.memory_space<vmem>>, %arg8: memref<80xi32, #tpu.memory_space<vmem>>, %arg9: memref<80xi32, #tpu.memory_space<vmem>>, %arg10: memref<80xi32, #tpu.memory_space<vmem>>, %arg11: memref<80x128xf32, #tpu.memory_space<vmem>>, %arg12: memref<80x128xf32, #tpu.memory_space<vmem>>, %arg13: memref<10240x128xf32, #tpu.memory_space<vmem_shared>>, %arg14: memref<!tpu.dma_semaphore, #tpu.memory_space<semaphore_mem>>, %arg15: memref<!tpu.dma_semaphore, #tpu.memory_space<semaphore_mem>>) attributes {dimension_semantics = [#tpu.dimension_semantics<core_parallel>, #tpu.dimension_semantics<subcore_parallel>], iteration_bounds = array<i64: 2, 16>, scalar_prefetch = 0 : i64, scratch_operands = 9 : i64, tpu.core_type = #tpu.core_type<sc_vector_subcore>, window_params = [{transform_indices = #map}, {transform_indices = #map1}, {transform_indices = #map1}, {transform_indices = #map}, {transform_indices = #map2}]} {
    %mul3A = arith.constant 16 : i32
    %mul3A_0 = arith.muli %arg0, %mul3A : i32
    %add3A = arith.addi %mul3A_0, %arg1 : i32
    %mul3A_1 = arith.constant 640 : i32
    %mul3A_2 = arith.muli %arg1, %mul3A_1 : i32
    "tpu.region"() ({
      %run_scoped3A = tpu.sem_alloc : memref<!tpu.dma_semaphore, #tpu.memory_space<semaphore_mem>>
      %dma_start3A_27 = arith.constant 0 : i32
      %dma_start3A_28 = tpu.memref_slice %arg13[%mul3A_2, %dma_start3A_27] : memref<10240x128xf32, #tpu.memory_space<vmem_shared>> -> memref<640x128xf32, #tpu.memory_space<vmem_shared>>
      tpu.enqueue_dma source(%arg5 : memref<640x128xf32, #tpu.memory_space<hbm>>) target(%dma_start3A_28 : memref<640x128xf32, #tpu.memory_space<vmem_shared>>) target_semaphore(%run_scoped3A : memref<!tpu.dma_semaphore, #tpu.memory_space<semaphore_mem>>)
      %dma_wait3A = arith.constant 0 : i32
      %dma_wait3A_29 = tpu.memref_slice %arg13[%mul3A_2, %dma_wait3A] : memref<10240x128xf32, #tpu.memory_space<vmem_shared>> -> memref<640x128xf32, #tpu.memory_space<vmem_shared>>
      tpu.wait_dma2 semaphore(%run_scoped3A : memref<!tpu.dma_semaphore, #tpu.memory_space<semaphore_mem>>) src(%arg5 : memref<640x128xf32, #tpu.memory_space<hbm>>) dst(%dma_wait3A_29 : memref<640x128xf32, #tpu.memory_space<vmem_shared>>)
      tpu.yield
    }) : () -> ()
    %barrier3A = arith.constant 0 : index
    tpu.barrier barrier_id(%barrier3A)
    %eq3A = arith.constant 0 : i32
    %eq3A_3 = arith.cmpi eq, %arg0, %eq3A : i32
    %jit3A = arith.constant 152 : i32
    %jit3A_4 = arith.constant 100 : i32
    %select_n3A = arith.select %eq3A_3, %jit3A, %jit3A_4 : i32
    %eq3A_5 = arith.constant 0 : i32
    %eq3A_6 = arith.cmpi eq, %arg0, %eq3A_5 : i32
    %mul3A_7 = arith.constant 152 : i32
    %mul3A_8 = arith.muli %arg1, %mul3A_7 : i32
    %mul3A_9 = arith.constant 100 : i32
    %mul3A_10 = arith.muli %arg1, %mul3A_9 : i32
    %add3A_11 = arith.constant 2432 : i32
    %add3A_12 = arith.addi %add3A_11, %mul3A_10 : i32
    %select_n3A_13 = arith.select %eq3A_6, %mul3A_8, %add3A_12 : i32
    %mul3A_14 = arith.constant 80 : i32
    %mul3A_15 = arith.muli %select_n3A_13, %mul3A_14 : i32
    "tpu.region"() ({
      %run_scoped3A = tpu.sem_alloc : memref<!tpu.dma_semaphore, #tpu.memory_space<semaphore_mem>>
      %dma_start3A_27 = tpu.memref_slice %arg3[%mul3A_15] : memref<322560xi32, #tpu.memory_space<hbm>> -> memref<80xi32, #tpu.memory_space<hbm>>
      %dma_start3A_28 = tpu.memref_slice %arg3[%mul3A_15] : memref<322560xi32, #tpu.memory_space<hbm>> -> memref<80xi32, #tpu.memory_space<hbm>>
      tpu.enqueue_dma source(%dma_start3A_28 : memref<80xi32, #tpu.memory_space<hbm>>) target(%arg7 : memref<80xi32, #tpu.memory_space<vmem>>) target_semaphore(%run_scoped3A : memref<!tpu.dma_semaphore, #tpu.memory_space<semaphore_mem>>)
      %dma_wait3A = tpu.memref_slice %arg3[%mul3A_15] : memref<322560xi32, #tpu.memory_space<hbm>> -> memref<80xi32, #tpu.memory_space<hbm>>
      %dma_wait3A_29 = tpu.memref_slice %arg3[%mul3A_15] : memref<322560xi32, #tpu.memory_space<hbm>> -> memref<80xi32, #tpu.memory_space<hbm>>
      tpu.wait_dma2 semaphore(%run_scoped3A : memref<!tpu.dma_semaphore, #tpu.memory_space<semaphore_mem>>) src(%dma_wait3A_29 : memref<80xi32, #tpu.memory_space<hbm>>) dst(%arg7 : memref<80xi32, #tpu.memory_space<vmem>>)
      tpu.yield
    }) : () -> ()
    "tpu.region"() ({
      %run_scoped3A = tpu.sem_alloc : memref<!tpu.dma_semaphore, #tpu.memory_space<semaphore_mem>>
      %dma_start3A_27 = tpu.memref_slice %arg4[%mul3A_15] : memref<322560xi32, #tpu.memory_space<hbm>> -> memref<80xi32, #tpu.memory_space<hbm>>
      %dma_start3A_28 = tpu.memref_slice %arg4[%mul3A_15] : memref<322560xi32, #tpu.memory_space<hbm>> -> memref<80xi32, #tpu.memory_space<hbm>>
      tpu.enqueue_dma source(%dma_start3A_28 : memref<80xi32, #tpu.memory_space<hbm>>) target(%arg8 : memref<80xi32, #tpu.memory_space<vmem>>) target_semaphore(%run_scoped3A : memref<!tpu.dma_semaphore, #tpu.memory_space<semaphore_mem>>)
      %dma_wait3A = tpu.memref_slice %arg4[%mul3A_15] : memref<322560xi32, #tpu.memory_space<hbm>> -> memref<80xi32, #tpu.memory_space<hbm>>
      %dma_wait3A_29 = tpu.memref_slice %arg4[%mul3A_15] : memref<322560xi32, #tpu.memory_space<hbm>> -> memref<80xi32, #tpu.memory_space<hbm>>
      tpu.wait_dma2 semaphore(%run_scoped3A : memref<!tpu.dma_semaphore, #tpu.memory_space<semaphore_mem>>) src(%dma_wait3A_29 : memref<80xi32, #tpu.memory_space<hbm>>) dst(%arg8 : memref<80xi32, #tpu.memory_space<vmem>>)
      tpu.yield
    }) : () -> ()
    %dma_start3A = arith.constant 0 : i32
    %dma_start3A_16 = arith.constant 0 : i32
    %dma_start3A_17 = tpu.memref_slice %arg2[%dma_start3A, %dma_start3A_16] : memref<10000x128xf32, #tpu.memory_space<hbm>> -> memref<10000x128xf32, #tpu.memory_space<hbm>>
    tpu.enqueue_indirect_dma source(%dma_start3A_17 : memref<10000x128xf32, #tpu.memory_space<hbm>>) target(%arg11 : memref<80x128xf32, #tpu.memory_space<vmem>>) offsets(%arg7 : memref<80xi32, #tpu.memory_space<vmem>>) semaphore(%arg14 : memref<!tpu.dma_semaphore, #tpu.memory_space<semaphore_mem>>)
    %scan3A = arith.constant 0 : i32
    %scan3A_18 = arith.constant 76 : i32
    %scan3A_19 = arith.addi %scan3A, %scan3A_18 : i32
    %scan3A_20 = arith.constant 1 : i32
    scf.for %scan3A_27 = %scan3A to %scan3A_19 step %scan3A_20  : i32 {
      %mul3A_28 = arith.constant 2 : i32
      %mul3A_29 = arith.muli %scan3A_27, %mul3A_28 : i32
      %add3A_30 = arith.constant 0 : i32
      %add3A_31 = arith.addi %add3A_30, %mul3A_29 : i32
      %lt3A = arith.cmpi slt, %add3A_31, %select_n3A : i32
      %convert_element_type3A = arith.extui %lt3A : i1 to i32
      %cond3A = arith.constant 0 : i32
      %cond3A_32 = arith.cmpi ne, %convert_element_type3A, %cond3A : i32
      scf.if %cond3A_32 {
        %add3A_33 = arith.constant 1 : i32
        %add3A_34 = arith.addi %add3A_31, %add3A_33 : i32
        %mul3A_35 = arith.constant 80 : i32
        %mul3A_36 = arith.muli %add3A_34, %mul3A_35 : i32
        %add3A_37 = arith.addi %mul3A_15, %mul3A_36 : i32
        "tpu.region"() ({
          %run_scoped3A = tpu.sem_alloc : memref<!tpu.dma_semaphore, #tpu.memory_space<semaphore_mem>>
          %dma_start3A_57 = tpu.memref_slice %arg3[%add3A_37] : memref<322560xi32, #tpu.memory_space<hbm>> -> memref<80xi32, #tpu.memory_space<hbm>>
          %dma_start3A_58 = tpu.memref_slice %arg3[%add3A_37] : memref<322560xi32, #tpu.memory_space<hbm>> -> memref<80xi32, #tpu.memory_space<hbm>>
          tpu.enqueue_dma source(%dma_start3A_58 : memref<80xi32, #tpu.memory_space<hbm>>) target(%arg9 : memref<80xi32, #tpu.memory_space<vmem>>) target_semaphore(%run_scoped3A : memref<!tpu.dma_semaphore, #tpu.memory_space<semaphore_mem>>)
          %dma_wait3A_59 = tpu.memref_slice %arg3[%add3A_37] : memref<322560xi32, #tpu.memory_space<hbm>> -> memref<80xi32, #tpu.memory_space<hbm>>
          %dma_wait3A_60 = tpu.memref_slice %arg3[%add3A_37] : memref<322560xi32, #tpu.memory_space<hbm>> -> memref<80xi32, #tpu.memory_space<hbm>>
          tpu.wait_dma2 semaphore(%run_scoped3A : memref<!tpu.dma_semaphore, #tpu.memory_space<semaphore_mem>>) src(%dma_wait3A_60 : memref<80xi32, #tpu.memory_space<hbm>>) dst(%arg9 : memref<80xi32, #tpu.memory_space<vmem>>)
          tpu.yield
        }) : () -> ()
        %add3A_38 = arith.constant 1 : i32
        %add3A_39 = arith.addi %add3A_31, %add3A_38 : i32
        %mul3A_40 = arith.constant 80 : i32
        %mul3A_41 = arith.muli %add3A_39, %mul3A_40 : i32
        %add3A_42 = arith.addi %mul3A_15, %mul3A_41 : i32
        "tpu.region"() ({
          %run_scoped3A = tpu.sem_alloc : memref<!tpu.dma_semaphore, #tpu.memory_space<semaphore_mem>>
          %dma_start3A_57 = tpu.memref_slice %arg4[%add3A_42] : memref<322560xi32, #tpu.memory_space<hbm>> -> memref<80xi32, #tpu.memory_space<hbm>>
          %dma_start3A_58 = tpu.memref_slice %arg4[%add3A_42] : memref<322560xi32, #tpu.memory_space<hbm>> -> memref<80xi32, #tpu.memory_space<hbm>>
          tpu.enqueue_dma source(%dma_start3A_58 : memref<80xi32, #tpu.memory_space<hbm>>) target(%arg10 : memref<80xi32, #tpu.memory_space<vmem>>) target_semaphore(%run_scoped3A : memref<!tpu.dma_semaphore, #tpu.memory_space<semaphore_mem>>)
          %dma_wait3A_59 = tpu.memref_slice %arg4[%add3A_42] : memref<322560xi32, #tpu.memory_space<hbm>> -> memref<80xi32, #tpu.memory_space<hbm>>
          %dma_wait3A_60 = tpu.memref_slice %arg4[%add3A_42] : memref<322560xi32, #tpu.memory_space<hbm>> -> memref<80xi32, #tpu.memory_space<hbm>>
          tpu.wait_dma2 semaphore(%run_scoped3A : memref<!tpu.dma_semaphore, #tpu.memory_space<semaphore_mem>>) src(%dma_wait3A_60 : memref<80xi32, #tpu.memory_space<hbm>>) dst(%arg10 : memref<80xi32, #tpu.memory_space<vmem>>)
          tpu.yield
        }) : () -> ()
        %dma_start3A_43 = arith.constant 0 : i32
        %dma_start3A_44 = arith.constant 0 : i32
        %dma_start3A_45 = tpu.memref_slice %arg2[%dma_start3A_43, %dma_start3A_44] : memref<10000x128xf32, #tpu.memory_space<hbm>> -> memref<10000x128xf32, #tpu.memory_space<hbm>>
        tpu.enqueue_indirect_dma source(%dma_start3A_45 : memref<10000x128xf32, #tpu.memory_space<hbm>>) target(%arg12 : memref<80x128xf32, #tpu.memory_space<vmem>>) offsets(%arg9 : memref<80xi32, #tpu.memory_space<vmem>>) semaphore(%arg15 : memref<!tpu.dma_semaphore, #tpu.memory_space<semaphore_mem>>)
        %dma_wait3A = arith.constant 0 : i32
        %dma_wait3A_46 = arith.constant 0 : i32
        %dma_wait3A_47 = tpu.memref_slice %arg2[%dma_wait3A, %dma_wait3A_46] : memref<10000x128xf32, #tpu.memory_space<hbm>> -> memref<10000x128xf32, #tpu.memory_space<hbm>>
        tpu.wait_indirect_dma semaphore(%arg14 : memref<!tpu.dma_semaphore, #tpu.memory_space<semaphore_mem>>) src(%dma_wait3A_47 : memref<10000x128xf32, #tpu.memory_space<hbm>>) dst(%arg11 : memref<80x128xf32, #tpu.memory_space<vmem>>)
        "tpu.region"() ({
          %run_scoped3A = tpu.sem_alloc : memref<!tpu.dma_semaphore, #tpu.memory_space<semaphore_mem>>
          %dma_start3A_57 = arith.constant 0 : i32
          %dma_start3A_58 = arith.constant 0 : i32
          %dma_start3A_59 = tpu.memref_slice %arg13[%dma_start3A_57, %dma_start3A_58] : memref<10240x128xf32, #tpu.memory_space<vmem_shared>> -> memref<10240x128xf32, #tpu.memory_space<vmem_shared>>
          tpu.enqueue_indirect_dma source(%arg11 : memref<80x128xf32, #tpu.memory_space<vmem>>) target(%dma_start3A_59 : memref<10240x128xf32, #tpu.memory_space<vmem_shared>>) offsets(%arg8 : memref<80xi32, #tpu.memory_space<vmem>>) semaphore(%run_scoped3A : memref<!tpu.dma_semaphore, #tpu.memory_space<semaphore_mem>>) {add = true}
          %dma_wait3A_60 = arith.constant 0 : i32
          %dma_wait3A_61 = arith.constant 0 : i32
          %dma_wait3A_62 = tpu.memref_slice %arg13[%dma_wait3A_60, %dma_wait3A_61] : memref<10240x128xf32, #tpu.memory_space<vmem_shared>> -> memref<10240x128xf32, #tpu.memory_space<vmem_shared>>
          tpu.wait_indirect_dma semaphore(%run_scoped3A : memref<!tpu.dma_semaphore, #tpu.memory_space<semaphore_mem>>) src(%arg11 : memref<80x128xf32, #tpu.memory_space<vmem>>) dst(%dma_wait3A_62 : memref<10240x128xf32, #tpu.memory_space<vmem_shared>>)
          tpu.yield
        }) : () -> ()
        %add3A_48 = arith.constant 2 : i32
        %add3A_49 = arith.addi %add3A_31, %add3A_48 : i32
        %lt3A_50 = arith.cmpi slt, %add3A_49, %select_n3A : i32
        %convert_element_type3A_51 = arith.extui %lt3A_50 : i1 to i32
        %cond3A_52 = arith.constant 0 : i32
        %cond3A_53 = arith.cmpi ne, %convert_element_type3A_51, %cond3A_52 : i32
        scf.if %cond3A_53 {
          %add3A_57 = arith.constant 2 : i32
          %add3A_58 = arith.addi %add3A_31, %add3A_57 : i32
          %mul3A_59 = arith.constant 80 : i32
          %mul3A_60 = arith.muli %add3A_58, %mul3A_59 : i32
          %add3A_61 = arith.addi %mul3A_15, %mul3A_60 : i32
          "tpu.region"() ({
            %run_scoped3A = tpu.sem_alloc : memref<!tpu.dma_semaphore, #tpu.memory_space<semaphore_mem>>
            %dma_start3A_70 = tpu.memref_slice %arg3[%add3A_61] : memref<322560xi32, #tpu.memory_space<hbm>> -> memref<80xi32, #tpu.memory_space<hbm>>
            %dma_start3A_71 = tpu.memref_slice %arg3[%add3A_61] : memref<322560xi32, #tpu.memory_space<hbm>> -> memref<80xi32, #tpu.memory_space<hbm>>
            tpu.enqueue_dma source(%dma_start3A_71 : memref<80xi32, #tpu.memory_space<hbm>>) target(%arg7 : memref<80xi32, #tpu.memory_space<vmem>>) target_semaphore(%run_scoped3A : memref<!tpu.dma_semaphore, #tpu.memory_space<semaphore_mem>>)
            %dma_wait3A_72 = tpu.memref_slice %arg3[%add3A_61] : memref<322560xi32, #tpu.memory_space<hbm>> -> memref<80xi32, #tpu.memory_space<hbm>>
            %dma_wait3A_73 = tpu.memref_slice %arg3[%add3A_61] : memref<322560xi32, #tpu.memory_space<hbm>> -> memref<80xi32, #tpu.memory_space<hbm>>
            tpu.wait_dma2 semaphore(%run_scoped3A : memref<!tpu.dma_semaphore, #tpu.memory_space<semaphore_mem>>) src(%dma_wait3A_73 : memref<80xi32, #tpu.memory_space<hbm>>) dst(%arg7 : memref<80xi32, #tpu.memory_space<vmem>>)
            tpu.yield
          }) : () -> ()
          %add3A_62 = arith.constant 2 : i32
          %add3A_63 = arith.addi %add3A_31, %add3A_62 : i32
          %mul3A_64 = arith.constant 80 : i32
          %mul3A_65 = arith.muli %add3A_63, %mul3A_64 : i32
          %add3A_66 = arith.addi %mul3A_15, %mul3A_65 : i32
          "tpu.region"() ({
            %run_scoped3A = tpu.sem_alloc : memref<!tpu.dma_semaphore, #tpu.memory_space<semaphore_mem>>
            %dma_start3A_70 = tpu.memref_slice %arg4[%add3A_66] : memref<322560xi32, #tpu.memory_space<hbm>> -> memref<80xi32, #tpu.memory_space<hbm>>
            %dma_start3A_71 = tpu.memref_slice %arg4[%add3A_66] : memref<322560xi32, #tpu.memory_space<hbm>> -> memref<80xi32, #tpu.memory_space<hbm>>
            tpu.enqueue_dma source(%dma_start3A_71 : memref<80xi32, #tpu.memory_space<hbm>>) target(%arg8 : memref<80xi32, #tpu.memory_space<vmem>>) target_semaphore(%run_scoped3A : memref<!tpu.dma_semaphore, #tpu.memory_space<semaphore_mem>>)
            %dma_wait3A_72 = tpu.memref_slice %arg4[%add3A_66] : memref<322560xi32, #tpu.memory_space<hbm>> -> memref<80xi32, #tpu.memory_space<hbm>>
            %dma_wait3A_73 = tpu.memref_slice %arg4[%add3A_66] : memref<322560xi32, #tpu.memory_space<hbm>> -> memref<80xi32, #tpu.memory_space<hbm>>
            tpu.wait_dma2 semaphore(%run_scoped3A : memref<!tpu.dma_semaphore, #tpu.memory_space<semaphore_mem>>) src(%dma_wait3A_73 : memref<80xi32, #tpu.memory_space<hbm>>) dst(%arg8 : memref<80xi32, #tpu.memory_space<vmem>>)
            tpu.yield
          }) : () -> ()
          %dma_start3A_67 = arith.constant 0 : i32
          %dma_start3A_68 = arith.constant 0 : i32
          %dma_start3A_69 = tpu.memref_slice %arg2[%dma_start3A_67, %dma_start3A_68] : memref<10000x128xf32, #tpu.memory_space<hbm>> -> memref<10000x128xf32, #tpu.memory_space<hbm>>
          tpu.enqueue_indirect_dma source(%dma_start3A_69 : memref<10000x128xf32, #tpu.memory_space<hbm>>) target(%arg11 : memref<80x128xf32, #tpu.memory_space<vmem>>) offsets(%arg7 : memref<80xi32, #tpu.memory_space<vmem>>) semaphore(%arg14 : memref<!tpu.dma_semaphore, #tpu.memory_space<semaphore_mem>>)
        } else {
        }
        %dma_wait3A_54 = arith.constant 0 : i32
        %dma_wait3A_55 = arith.constant 0 : i32
        %dma_wait3A_56 = tpu.memref_slice %arg2[%dma_wait3A_54, %dma_wait3A_55] : memref<10000x128xf32, #tpu.memory_space<hbm>> -> memref<10000x128xf32, #tpu.memory_space<hbm>>
        tpu.wait_indirect_dma semaphore(%arg15 : memref<!tpu.dma_semaphore, #tpu.memory_space<semaphore_mem>>) src(%dma_wait3A_56 : memref<10000x128xf32, #tpu.memory_space<hbm>>) dst(%arg12 : memref<80x128xf32, #tpu.memory_space<vmem>>)
        "tpu.region"() ({
          %run_scoped3A = tpu.sem_alloc : memref<!tpu.dma_semaphore, #tpu.memory_space<semaphore_mem>>
          %dma_start3A_57 = arith.constant 0 : i32
          %dma_start3A_58 = arith.constant 0 : i32
          %dma_start3A_59 = tpu.memref_slice %arg13[%dma_start3A_57, %dma_start3A_58] : memref<10240x128xf32, #tpu.memory_space<vmem_shared>> -> memref<10240x128xf32, #tpu.memory_space<vmem_shared>>
          tpu.enqueue_indirect_dma source(%arg12 : memref<80x128xf32, #tpu.memory_space<vmem>>) target(%dma_start3A_59 : memref<10240x128xf32, #tpu.memory_space<vmem_shared>>) offsets(%arg10 : memref<80xi32, #tpu.memory_space<vmem>>) semaphore(%run_scoped3A : memref<!tpu.dma_semaphore, #tpu.memory_space<semaphore_mem>>) {add = true}
          %dma_wait3A_60 = arith.constant 0 : i32
          %dma_wait3A_61 = arith.constant 0 : i32
          %dma_wait3A_62 = tpu.memref_slice %arg13[%dma_wait3A_60, %dma_wait3A_61] : memref<10240x128xf32, #tpu.memory_space<vmem_shared>> -> memref<10240x128xf32, #tpu.memory_space<vmem_shared>>
          tpu.wait_indirect_dma semaphore(%run_scoped3A : memref<!tpu.dma_semaphore, #tpu.memory_space<semaphore_mem>>) src(%arg12 : memref<80x128xf32, #tpu.memory_space<vmem>>) dst(%dma_wait3A_62 : memref<10240x128xf32, #tpu.memory_space<vmem_shared>>)
          tpu.yield
        }) : () -> ()
      } else {
      }
    }
    %scan3A_21 = arith.constant 76 : i32
    %barrier3A_22 = arith.constant 0 : index
    tpu.barrier barrier_id(%barrier3A_22)
    %mul3A_23 = arith.constant 640 : i32
    %mul3A_24 = arith.muli %arg1, %mul3A_23 : i32
    %mul3A_25 = arith.constant 640 : i32
    %mul3A_26 = arith.muli %arg1, %mul3A_25 : i32
    "tpu.region"() ({
      %run_scoped3A = tpu.sem_alloc : memref<!tpu.dma_semaphore, #tpu.memory_space<semaphore_mem>>
      %dma_start3A_27 = arith.constant 0 : i32
      %dma_start3A_28 = tpu.memref_slice %arg6[%arg0, %mul3A_26, %dma_start3A_27] : memref<2x10240x128xf32, #tpu.memory_space<hbm>> -> memref<1x640x128xf32, #tpu.memory_space<hbm>>
      %dma_start3A_29 = tpu.memref_squeeze %dma_start3A_28 : memref<1x640x128xf32, #tpu.memory_space<hbm>> -> memref<640x128xf32, #tpu.memory_space<hbm>>
      %dma_start3A_30 = arith.constant 0 : i32
      %dma_start3A_31 = tpu.memref_slice %arg13[%mul3A_24, %dma_start3A_30] : memref<10240x128xf32, #tpu.memory_space<vmem_shared>> -> memref<640x128xf32, #tpu.memory_space<vmem_shared>>
      tpu.enqueue_dma source(%dma_start3A_31 : memref<640x128xf32, #tpu.memory_space<vmem_shared>>) target(%dma_start3A_29 : memref<640x128xf32, #tpu.memory_space<hbm>>) target_semaphore(%run_scoped3A : memref<!tpu.dma_semaphore, #tpu.memory_space<semaphore_mem>>)
      %dma_wait3A = arith.constant 0 : i32
      %dma_wait3A_32 = tpu.memref_slice %arg6[%arg0, %mul3A_26, %dma_wait3A] : memref<2x10240x128xf32, #tpu.memory_space<hbm>> -> memref<1x640x128xf32, #tpu.memory_space<hbm>>
      %dma_wait3A_33 = tpu.memref_squeeze %dma_wait3A_32 : memref<1x640x128xf32, #tpu.memory_space<hbm>> -> memref<640x128xf32, #tpu.memory_space<hbm>>
      %dma_wait3A_34 = arith.constant 0 : i32
      %dma_wait3A_35 = tpu.memref_slice %arg13[%mul3A_24, %dma_wait3A_34] : memref<10240x128xf32, #tpu.memory_space<vmem_shared>> -> memref<640x128xf32, #tpu.memory_space<vmem_shared>>
      tpu.wait_dma2 semaphore(%run_scoped3A : memref<!tpu.dma_semaphore, #tpu.memory_space<semaphore_mem>>) src(%dma_wait3A_35 : memref<640x128xf32, #tpu.memory_space<vmem_shared>>) dst(%dma_wait3A_33 : memref<640x128xf32, #tpu.memory_space<hbm>>)
      tpu.yield
    }) : () -> ()
    return
  }
}

#map = affine_map<(d0, d1) -> (0, 0)>
#map1 = affine_map<(d0, d1) -> (0)>
#map2 = affine_map<(d0, d1) -> (0, 0, 0)>
module attributes {stable_mosaic.version = 14 : i64} {
  func.func @_segsum_body(%arg0: i32, %arg1: i32, %arg2: memref<10000x128xf32, #tpu.memory_space<hbm>>, %arg3: memref<322560xi32, #tpu.memory_space<hbm>>, %arg4: memref<322560xi32, #tpu.memory_space<hbm>>, %arg5: memref<640x128xf32, #tpu.memory_space<hbm>>, %arg6: memref<2x10240x128xf32, #tpu.memory_space<hbm>>, %arg7: memref<80xi32, #tpu.memory_space<vmem>>, %arg8: memref<80xi32, #tpu.memory_space<vmem>>, %arg9: memref<80xi32, #tpu.memory_space<vmem>>, %arg10: memref<80xi32, #tpu.memory_space<vmem>>, %arg11: memref<80x128xf32, #tpu.memory_space<vmem>>, %arg12: memref<80x128xf32, #tpu.memory_space<vmem>>, %arg13: memref<10240x128xf32, #tpu.memory_space<vmem_shared>>, %arg14: memref<!tpu.dma_semaphore, #tpu.memory_space<semaphore_mem>>, %arg15: memref<!tpu.dma_semaphore, #tpu.memory_space<semaphore_mem>>) attributes {dimension_semantics = [#tpu.dimension_semantics<core_parallel>, #tpu.dimension_semantics<subcore_parallel>], iteration_bounds = array<i64: 2, 16>, scalar_prefetch = 0 : i64, scratch_operands = 9 : i64, tpu.core_type = #tpu.core_type<sc_vector_subcore>, window_params = [{transform_indices = #map}, {transform_indices = #map1}, {transform_indices = #map1}, {transform_indices = #map}, {transform_indices = #map2}]} {
    %mul3A = arith.constant 16 : i32
    %mul3A_0 = arith.muli %arg0, %mul3A : i32
    %add3A = arith.addi %mul3A_0, %arg1 : i32
    %mul3A_1 = arith.constant 640 : i32
    %mul3A_2 = arith.muli %arg1, %mul3A_1 : i32
    "tpu.region"() ({
      %run_scoped3A = tpu.sem_alloc : memref<!tpu.dma_semaphore, #tpu.memory_space<semaphore_mem>>
      %dma_start3A_27 = arith.constant 0 : i32
      %dma_start3A_28 = tpu.memref_slice %arg13[%mul3A_2, %dma_start3A_27] : memref<10240x128xf32, #tpu.memory_space<vmem_shared>> -> memref<640x128xf32, #tpu.memory_space<vmem_shared>>
      tpu.enqueue_dma source(%arg5 : memref<640x128xf32, #tpu.memory_space<hbm>>) target(%dma_start3A_28 : memref<640x128xf32, #tpu.memory_space<vmem_shared>>) target_semaphore(%run_scoped3A : memref<!tpu.dma_semaphore, #tpu.memory_space<semaphore_mem>>)
      %dma_wait3A = arith.constant 0 : i32
      %dma_wait3A_29 = tpu.memref_slice %arg13[%mul3A_2, %dma_wait3A] : memref<10240x128xf32, #tpu.memory_space<vmem_shared>> -> memref<640x128xf32, #tpu.memory_space<vmem_shared>>
      tpu.wait_dma2 semaphore(%run_scoped3A : memref<!tpu.dma_semaphore, #tpu.memory_space<semaphore_mem>>) src(%arg5 : memref<640x128xf32, #tpu.memory_space<hbm>>) dst(%dma_wait3A_29 : memref<640x128xf32, #tpu.memory_space<vmem_shared>>)
      tpu.yield
    }) : () -> ()
    %barrier3A = arith.constant 0 : index
    tpu.barrier barrier_id(%barrier3A)
    %eq3A = arith.constant 0 : i32
    %eq3A_3 = arith.cmpi eq, %arg0, %eq3A : i32
    %jit3A = arith.constant 152 : i32
    %jit3A_4 = arith.constant 100 : i32
    %select_n3A = arith.select %eq3A_3, %jit3A, %jit3A_4 : i32
    %eq3A_5 = arith.constant 0 : i32
    %eq3A_6 = arith.cmpi eq, %arg0, %eq3A_5 : i32
    %mul3A_7 = arith.constant 152 : i32
    %mul3A_8 = arith.muli %arg1, %mul3A_7 : i32
    %mul3A_9 = arith.constant 100 : i32
    %mul3A_10 = arith.muli %arg1, %mul3A_9 : i32
    %add3A_11 = arith.constant 2432 : i32
    %add3A_12 = arith.addi %add3A_11, %mul3A_10 : i32
    %select_n3A_13 = arith.select %eq3A_6, %mul3A_8, %add3A_12 : i32
    %mul3A_14 = arith.constant 80 : i32
    %mul3A_15 = arith.muli %select_n3A_13, %mul3A_14 : i32
    "tpu.region"() ({
      %run_scoped3A = tpu.sem_alloc : memref<!tpu.dma_semaphore, #tpu.memory_space<semaphore_mem>>
      %dma_start3A_27 = tpu.memref_slice %arg3[%mul3A_15] : memref<322560xi32, #tpu.memory_space<hbm>> -> memref<80xi32, #tpu.memory_space<hbm>>
      %dma_start3A_28 = tpu.memref_slice %arg3[%mul3A_15] : memref<322560xi32, #tpu.memory_space<hbm>> -> memref<80xi32, #tpu.memory_space<hbm>>
      tpu.enqueue_dma source(%dma_start3A_28 : memref<80xi32, #tpu.memory_space<hbm>>) target(%arg7 : memref<80xi32, #tpu.memory_space<vmem>>) target_semaphore(%run_scoped3A : memref<!tpu.dma_semaphore, #tpu.memory_space<semaphore_mem>>)
      %dma_wait3A = tpu.memref_slice %arg3[%mul3A_15] : memref<322560xi32, #tpu.memory_space<hbm>> -> memref<80xi32, #tpu.memory_space<hbm>>
      %dma_wait3A_29 = tpu.memref_slice %arg3[%mul3A_15] : memref<322560xi32, #tpu.memory_space<hbm>> -> memref<80xi32, #tpu.memory_space<hbm>>
      tpu.wait_dma2 semaphore(%run_scoped3A : memref<!tpu.dma_semaphore, #tpu.memory_space<semaphore_mem>>) src(%dma_wait3A_29 : memref<80xi32, #tpu.memory_space<hbm>>) dst(%arg7 : memref<80xi32, #tpu.memory_space<vmem>>)
      tpu.yield
    }) : () -> ()
    "tpu.region"() ({
      %run_scoped3A = tpu.sem_alloc : memref<!tpu.dma_semaphore, #tpu.memory_space<semaphore_mem>>
      %dma_start3A_27 = tpu.memref_slice %arg4[%mul3A_15] : memref<322560xi32, #tpu.memory_space<hbm>> -> memref<80xi32, #tpu.memory_space<hbm>>
      %dma_start3A_28 = tpu.memref_slice %arg4[%mul3A_15] : memref<322560xi32, #tpu.memory_space<hbm>> -> memref<80xi32, #tpu.memory_space<hbm>>
      tpu.enqueue_dma source(%dma_start3A_28 : memref<80xi32, #tpu.memory_space<hbm>>) target(%arg8 : memref<80xi32, #tpu.memory_space<vmem>>) target_semaphore(%run_scoped3A : memref<!tpu.dma_semaphore, #tpu.memory_space<semaphore_mem>>)
      %dma_wait3A = tpu.memref_slice %arg4[%mul3A_15] : memref<322560xi32, #tpu.memory_space<hbm>> -> memref<80xi32, #tpu.memory_space<hbm>>
      %dma_wait3A_29 = tpu.memref_slice %arg4[%mul3A_15] : memref<322560xi32, #tpu.memory_space<hbm>> -> memref<80xi32, #tpu.memory_space<hbm>>
      tpu.wait_dma2 semaphore(%run_scoped3A : memref<!tpu.dma_semaphore, #tpu.memory_space<semaphore_mem>>) src(%dma_wait3A_29 : memref<80xi32, #tpu.memory_space<hbm>>) dst(%arg8 : memref<80xi32, #tpu.memory_space<vmem>>)
      tpu.yield
    }) : () -> ()
    %dma_start3A = arith.constant 0 : i32
    %dma_start3A_16 = arith.constant 0 : i32
    %dma_start3A_17 = tpu.memref_slice %arg2[%dma_start3A, %dma_start3A_16] : memref<10000x128xf32, #tpu.memory_space<hbm>> -> memref<10000x128xf32, #tpu.memory_space<hbm>>
    tpu.enqueue_indirect_dma source(%dma_start3A_17 : memref<10000x128xf32, #tpu.memory_space<hbm>>) target(%arg11 : memref<80x128xf32, #tpu.memory_space<vmem>>) offsets(%arg7 : memref<80xi32, #tpu.memory_space<vmem>>) semaphore(%arg14 : memref<!tpu.dma_semaphore, #tpu.memory_space<semaphore_mem>>)
    %scan3A = arith.constant 0 : i32
    %scan3A_18 = arith.constant 76 : i32
    %scan3A_19 = arith.addi %scan3A, %scan3A_18 : i32
    %scan3A_20 = arith.constant 1 : i32
    scf.for %scan3A_27 = %scan3A to %scan3A_19 step %scan3A_20  : i32 {
      %mul3A_28 = arith.constant 2 : i32
      %mul3A_29 = arith.muli %scan3A_27, %mul3A_28 : i32
      %add3A_30 = arith.constant 0 : i32
      %add3A_31 = arith.addi %add3A_30, %mul3A_29 : i32
      %lt3A = arith.cmpi slt, %add3A_31, %select_n3A : i32
      %convert_element_type3A = arith.extui %lt3A : i1 to i32
      %cond3A = arith.constant 0 : i32
      %cond3A_32 = arith.cmpi ne, %convert_element_type3A, %cond3A : i32
      scf.if %cond3A_32 {
        %add3A_33 = arith.constant 1 : i32
        %add3A_34 = arith.addi %add3A_31, %add3A_33 : i32
        %mul3A_35 = arith.constant 80 : i32
        %mul3A_36 = arith.muli %add3A_34, %mul3A_35 : i32
        %add3A_37 = arith.addi %mul3A_15, %mul3A_36 : i32
        "tpu.region"() ({
          %run_scoped3A = tpu.sem_alloc : memref<!tpu.dma_semaphore, #tpu.memory_space<semaphore_mem>>
          %dma_start3A_57 = tpu.memref_slice %arg3[%add3A_37] : memref<322560xi32, #tpu.memory_space<hbm>> -> memref<80xi32, #tpu.memory_space<hbm>>
          %dma_start3A_58 = tpu.memref_slice %arg3[%add3A_37] : memref<322560xi32, #tpu.memory_space<hbm>> -> memref<80xi32, #tpu.memory_space<hbm>>
          tpu.enqueue_dma source(%dma_start3A_58 : memref<80xi32, #tpu.memory_space<hbm>>) target(%arg9 : memref<80xi32, #tpu.memory_space<vmem>>) target_semaphore(%run_scoped3A : memref<!tpu.dma_semaphore, #tpu.memory_space<semaphore_mem>>)
          %dma_wait3A_59 = tpu.memref_slice %arg3[%add3A_37] : memref<322560xi32, #tpu.memory_space<hbm>> -> memref<80xi32, #tpu.memory_space<hbm>>
          %dma_wait3A_60 = tpu.memref_slice %arg3[%add3A_37] : memref<322560xi32, #tpu.memory_space<hbm>> -> memref<80xi32, #tpu.memory_space<hbm>>
          tpu.wait_dma2 semaphore(%run_scoped3A : memref<!tpu.dma_semaphore, #tpu.memory_space<semaphore_mem>>) src(%dma_wait3A_60 : memref<80xi32, #tpu.memory_space<hbm>>) dst(%arg9 : memref<80xi32, #tpu.memory_space<vmem>>)
          tpu.yield
        }) : () -> ()
        %add3A_38 = arith.constant 1 : i32
        %add3A_39 = arith.addi %add3A_31, %add3A_38 : i32
        %mul3A_40 = arith.constant 80 : i32
        %mul3A_41 = arith.muli %add3A_39, %mul3A_40 : i32
        %add3A_42 = arith.addi %mul3A_15, %mul3A_41 : i32
        "tpu.region"() ({
          %run_scoped3A = tpu.sem_alloc : memref<!tpu.dma_semaphore, #tpu.memory_space<semaphore_mem>>
          %dma_start3A_57 = tpu.memref_slice %arg4[%add3A_42] : memref<322560xi32, #tpu.memory_space<hbm>> -> memref<80xi32, #tpu.memory_space<hbm>>
          %dma_start3A_58 = tpu.memref_slice %arg4[%add3A_42] : memref<322560xi32, #tpu.memory_space<hbm>> -> memref<80xi32, #tpu.memory_space<hbm>>
          tpu.enqueue_dma source(%dma_start3A_58 : memref<80xi32, #tpu.memory_space<hbm>>) target(%arg10 : memref<80xi32, #tpu.memory_space<vmem>>) target_semaphore(%run_scoped3A : memref<!tpu.dma_semaphore, #tpu.memory_space<semaphore_mem>>)
          %dma_wait3A_59 = tpu.memref_slice %arg4[%add3A_42] : memref<322560xi32, #tpu.memory_space<hbm>> -> memref<80xi32, #tpu.memory_space<hbm>>
          %dma_wait3A_60 = tpu.memref_slice %arg4[%add3A_42] : memref<322560xi32, #tpu.memory_space<hbm>> -> memref<80xi32, #tpu.memory_space<hbm>>
          tpu.wait_dma2 semaphore(%run_scoped3A : memref<!tpu.dma_semaphore, #tpu.memory_space<semaphore_mem>>) src(%dma_wait3A_60 : memref<80xi32, #tpu.memory_space<hbm>>) dst(%arg10 : memref<80xi32, #tpu.memory_space<vmem>>)
          tpu.yield
        }) : () -> ()
        %dma_start3A_43 = arith.constant 0 : i32
        %dma_start3A_44 = arith.constant 0 : i32
        %dma_start3A_45 = tpu.memref_slice %arg2[%dma_start3A_43, %dma_start3A_44] : memref<10000x128xf32, #tpu.memory_space<hbm>> -> memref<10000x128xf32, #tpu.memory_space<hbm>>
        tpu.enqueue_indirect_dma source(%dma_start3A_45 : memref<10000x128xf32, #tpu.memory_space<hbm>>) target(%arg12 : memref<80x128xf32, #tpu.memory_space<vmem>>) offsets(%arg9 : memref<80xi32, #tpu.memory_space<vmem>>) semaphore(%arg15 : memref<!tpu.dma_semaphore, #tpu.memory_space<semaphore_mem>>)
        %dma_wait3A = arith.constant 0 : i32
        %dma_wait3A_46 = arith.constant 0 : i32
        %dma_wait3A_47 = tpu.memref_slice %arg2[%dma_wait3A, %dma_wait3A_46] : memref<10000x128xf32, #tpu.memory_space<hbm>> -> memref<10000x128xf32, #tpu.memory_space<hbm>>
        tpu.wait_indirect_dma semaphore(%arg14 : memref<!tpu.dma_semaphore, #tpu.memory_space<semaphore_mem>>) src(%dma_wait3A_47 : memref<10000x128xf32, #tpu.memory_space<hbm>>) dst(%arg11 : memref<80x128xf32, #tpu.memory_space<vmem>>)
        "tpu.region"() ({
          %run_scoped3A = tpu.sem_alloc : memref<!tpu.dma_semaphore, #tpu.memory_space<semaphore_mem>>
          %dma_start3A_57 = arith.constant 0 : i32
          %dma_start3A_58 = arith.constant 0 : i32
          %dma_start3A_59 = tpu.memref_slice %arg13[%dma_start3A_57, %dma_start3A_58] : memref<10240x128xf32, #tpu.memory_space<vmem_shared>> -> memref<10240x128xf32, #tpu.memory_space<vmem_shared>>
          tpu.enqueue_indirect_dma source(%arg11 : memref<80x128xf32, #tpu.memory_space<vmem>>) target(%dma_start3A_59 : memref<10240x128xf32, #tpu.memory_space<vmem_shared>>) offsets(%arg8 : memref<80xi32, #tpu.memory_space<vmem>>) semaphore(%run_scoped3A : memref<!tpu.dma_semaphore, #tpu.memory_space<semaphore_mem>>) {add = true}
          %dma_wait3A_60 = arith.constant 0 : i32
          %dma_wait3A_61 = arith.constant 0 : i32
          %dma_wait3A_62 = tpu.memref_slice %arg13[%dma_wait3A_60, %dma_wait3A_61] : memref<10240x128xf32, #tpu.memory_space<vmem_shared>> -> memref<10240x128xf32, #tpu.memory_space<vmem_shared>>
          tpu.wait_indirect_dma semaphore(%run_scoped3A : memref<!tpu.dma_semaphore, #tpu.memory_space<semaphore_mem>>) src(%arg11 : memref<80x128xf32, #tpu.memory_space<vmem>>) dst(%dma_wait3A_62 : memref<10240x128xf32, #tpu.memory_space<vmem_shared>>)
          tpu.yield
        }) : () -> ()
        %add3A_48 = arith.constant 2 : i32
        %add3A_49 = arith.addi %add3A_31, %add3A_48 : i32
        %lt3A_50 = arith.cmpi slt, %add3A_49, %select_n3A : i32
        %convert_element_type3A_51 = arith.extui %lt3A_50 : i1 to i32
        %cond3A_52 = arith.constant 0 : i32
        %cond3A_53 = arith.cmpi ne, %convert_element_type3A_51, %cond3A_52 : i32
        scf.if %cond3A_53 {
          %add3A_57 = arith.constant 2 : i32
          %add3A_58 = arith.addi %add3A_31, %add3A_57 : i32
          %mul3A_59 = arith.constant 80 : i32
          %mul3A_60 = arith.muli %add3A_58, %mul3A_59 : i32
          %add3A_61 = arith.addi %mul3A_15, %mul3A_60 : i32
          "tpu.region"() ({
            %run_scoped3A = tpu.sem_alloc : memref<!tpu.dma_semaphore, #tpu.memory_space<semaphore_mem>>
            %dma_start3A_70 = tpu.memref_slice %arg3[%add3A_61] : memref<322560xi32, #tpu.memory_space<hbm>> -> memref<80xi32, #tpu.memory_space<hbm>>
            %dma_start3A_71 = tpu.memref_slice %arg3[%add3A_61] : memref<322560xi32, #tpu.memory_space<hbm>> -> memref<80xi32, #tpu.memory_space<hbm>>
            tpu.enqueue_dma source(%dma_start3A_71 : memref<80xi32, #tpu.memory_space<hbm>>) target(%arg7 : memref<80xi32, #tpu.memory_space<vmem>>) target_semaphore(%run_scoped3A : memref<!tpu.dma_semaphore, #tpu.memory_space<semaphore_mem>>)
            %dma_wait3A_72 = tpu.memref_slice %arg3[%add3A_61] : memref<322560xi32, #tpu.memory_space<hbm>> -> memref<80xi32, #tpu.memory_space<hbm>>
            %dma_wait3A_73 = tpu.memref_slice %arg3[%add3A_61] : memref<322560xi32, #tpu.memory_space<hbm>> -> memref<80xi32, #tpu.memory_space<hbm>>
            tpu.wait_dma2 semaphore(%run_scoped3A : memref<!tpu.dma_semaphore, #tpu.memory_space<semaphore_mem>>) src(%dma_wait3A_73 : memref<80xi32, #tpu.memory_space<hbm>>) dst(%arg7 : memref<80xi32, #tpu.memory_space<vmem>>)
            tpu.yield
          }) : () -> ()
          %add3A_62 = arith.constant 2 : i32
          %add3A_63 = arith.addi %add3A_31, %add3A_62 : i32
          %mul3A_64 = arith.constant 80 : i32
          %mul3A_65 = arith.muli %add3A_63, %mul3A_64 : i32
          %add3A_66 = arith.addi %mul3A_15, %mul3A_65 : i32
          "tpu.region"() ({
            %run_scoped3A = tpu.sem_alloc : memref<!tpu.dma_semaphore, #tpu.memory_space<semaphore_mem>>
            %dma_start3A_70 = tpu.memref_slice %arg4[%add3A_66] : memref<322560xi32, #tpu.memory_space<hbm>> -> memref<80xi32, #tpu.memory_space<hbm>>
            %dma_start3A_71 = tpu.memref_slice %arg4[%add3A_66] : memref<322560xi32, #tpu.memory_space<hbm>> -> memref<80xi32, #tpu.memory_space<hbm>>
            tpu.enqueue_dma source(%dma_start3A_71 : memref<80xi32, #tpu.memory_space<hbm>>) target(%arg8 : memref<80xi32, #tpu.memory_space<vmem>>) target_semaphore(%run_scoped3A : memref<!tpu.dma_semaphore, #tpu.memory_space<semaphore_mem>>)
            %dma_wait3A_72 = tpu.memref_slice %arg4[%add3A_66] : memref<322560xi32, #tpu.memory_space<hbm>> -> memref<80xi32, #tpu.memory_space<hbm>>
            %dma_wait3A_73 = tpu.memref_slice %arg4[%add3A_66] : memref<322560xi32, #tpu.memory_space<hbm>> -> memref<80xi32, #tpu.memory_space<hbm>>
            tpu.wait_dma2 semaphore(%run_scoped3A : memref<!tpu.dma_semaphore, #tpu.memory_space<semaphore_mem>>) src(%dma_wait3A_73 : memref<80xi32, #tpu.memory_space<hbm>>) dst(%arg8 : memref<80xi32, #tpu.memory_space<vmem>>)
            tpu.yield
          }) : () -> ()
          %dma_start3A_67 = arith.constant 0 : i32
          %dma_start3A_68 = arith.constant 0 : i32
          %dma_start3A_69 = tpu.memref_slice %arg2[%dma_start3A_67, %dma_start3A_68] : memref<10000x128xf32, #tpu.memory_space<hbm>> -> memref<10000x128xf32, #tpu.memory_space<hbm>>
          tpu.enqueue_indirect_dma source(%dma_start3A_69 : memref<10000x128xf32, #tpu.memory_space<hbm>>) target(%arg11 : memref<80x128xf32, #tpu.memory_space<vmem>>) offsets(%arg7 : memref<80xi32, #tpu.memory_space<vmem>>) semaphore(%arg14 : memref<!tpu.dma_semaphore, #tpu.memory_space<semaphore_mem>>)
        } else {
        }
        %dma_wait3A_54 = arith.constant 0 : i32
        %dma_wait3A_55 = arith.constant 0 : i32
        %dma_wait3A_56 = tpu.memref_slice %arg2[%dma_wait3A_54, %dma_wait3A_55] : memref<10000x128xf32, #tpu.memory_space<hbm>> -> memref<10000x128xf32, #tpu.memory_space<hbm>>
        tpu.wait_indirect_dma semaphore(%arg15 : memref<!tpu.dma_semaphore, #tpu.memory_space<semaphore_mem>>) src(%dma_wait3A_56 : memref<10000x128xf32, #tpu.memory_space<hbm>>) dst(%arg12 : memref<80x128xf32, #tpu.memory_space<vmem>>)
        "tpu.region"() ({
          %run_scoped3A = tpu.sem_alloc : memref<!tpu.dma_semaphore, #tpu.memory_space<semaphore_mem>>
          %dma_start3A_57 = arith.constant 0 : i32
          %dma_start3A_58 = arith.constant 0 : i32
          %dma_start3A_59 = tpu.memref_slice %arg13[%dma_start3A_57, %dma_start3A_58] : memref<10240x128xf32, #tpu.memory_space<vmem_shared>> -> memref<10240x128xf32, #tpu.memory_space<vmem_shared>>
          tpu.enqueue_indirect_dma source(%arg12 : memref<80x128xf32, #tpu.memory_space<vmem>>) target(%dma_start3A_59 : memref<10240x128xf32, #tpu.memory_space<vmem_shared>>) offsets(%arg10 : memref<80xi32, #tpu.memory_space<vmem>>) semaphore(%run_scoped3A : memref<!tpu.dma_semaphore, #tpu.memory_space<semaphore_mem>>) {add = true}
          %dma_wait3A_60 = arith.constant 0 : i32
          %dma_wait3A_61 = arith.constant 0 : i32
          %dma_wait3A_62 = tpu.memref_slice %arg13[%dma_wait3A_60, %dma_wait3A_61] : memref<10240x128xf32, #tpu.memory_space<vmem_shared>> -> memref<10240x128xf32, #tpu.memory_space<vmem_shared>>
          tpu.wait_indirect_dma semaphore(%run_scoped3A : memref<!tpu.dma_semaphore, #tpu.memory_space<semaphore_mem>>) src(%arg12 : memref<80x128xf32, #tpu.memory_space<vmem>>) dst(%dma_wait3A_62 : memref<10240x128xf32, #tpu.memory_space<vmem_shared>>)
          tpu.yield
        }) : () -> ()
      } else {
      }
    }
    %scan3A_21 = arith.constant 76 : i32
    %barrier3A_22 = arith.constant 0 : index
    tpu.barrier barrier_id(%barrier3A_22)
    %mul3A_23 = arith.constant 640 : i32
    %mul3A_24 = arith.muli %arg1, %mul3A_23 : i32
    %mul3A_25 = arith.constant 640 : i32
    %mul3A_26 = arith.muli %arg1, %mul3A_25 : i32
    "tpu.region"() ({
      %run_scoped3A = tpu.sem_alloc : memref<!tpu.dma_semaphore, #tpu.memory_space<semaphore_mem>>
      %dma_start3A_27 = arith.constant 0 : i32
      %dma_start3A_28 = tpu.memref_slice %arg6[%arg0, %mul3A_26, %dma_start3A_27] : memref<2x10240x128xf32, #tpu.memory_space<hbm>> -> memref<1x640x128xf32, #tpu.memory_space<hbm>>
      %dma_start3A_29 = tpu.memref_squeeze %dma_start3A_28 : memref<1x640x128xf32, #tpu.memory_space<hbm>> -> memref<640x128xf32, #tpu.memory_space<hbm>>
      %dma_start3A_30 = arith.constant 0 : i32
      %dma_start3A_31 = tpu.memref_slice %arg13[%mul3A_24, %dma_start3A_30] : memref<10240x128xf32, #tpu.memory_space<vmem_shared>> -> memref<640x128xf32, #tpu.memory_space<vmem_shared>>
      tpu.enqueue_dma source(%dma_start3A_31 : memref<640x128xf32, #tpu.memory_space<vmem_shared>>) target(%dma_start3A_29 : memref<640x128xf32, #tpu.memory_space<hbm>>) target_semaphore(%run_scoped3A : memref<!tpu.dma_semaphore, #tpu.memory_space<semaphore_mem>>)
      %dma_wait3A = arith.constant 0 : i32
      %dma_wait3A_32 = tpu.memref_slice %arg6[%arg0, %mul3A_26, %dma_wait3A] : memref<2x10240x128xf32, #tpu.memory_space<hbm>> -> memref<1x640x128xf32, #tpu.memory_space<hbm>>
      %dma_wait3A_33 = tpu.memref_squeeze %dma_wait3A_32 : memref<1x640x128xf32, #tpu.memory_space<hbm>> -> memref<640x128xf32, #tpu.memory_space<hbm>>
      %dma_wait3A_34 = arith.constant 0 : i32
      %dma_wait3A_35 = tpu.memref_slice %arg13[%mul3A_24, %dma_wait3A_34] : memref<10240x128xf32, #tpu.memory_space<vmem_shared>> -> memref<640x128xf32, #tpu.memory_space<vmem_shared>>
      tpu.wait_dma2 semaphore(%run_scoped3A : memref<!tpu.dma_semaphore, #tpu.memory_space<semaphore_mem>>) src(%dma_wait3A_35 : memref<640x128xf32, #tpu.memory_space<vmem_shared>>) dst(%dma_wait3A_33 : memref<640x128xf32, #tpu.memory_space<hbm>>)
      tpu.yield
    }) : () -> ()
    return
  }
}

module attributes {stable_mosaic.version = 14 : i64} {
  func.func @_mm_body(%arg0: i32, %arg1: memref<2000x128xf32, #tpu.memory_space<vmem>>, %arg2: memref<128x128xf32, #tpu.memory_space<vmem>>, %arg3: memref<2000x128xf32, #tpu.memory_space<vmem>>) attributes {dimension_semantics = [#tpu.dimension_semantics<arbitrary>], iteration_bounds = array<i64: 5>, scalar_prefetch = 0 : i64, scratch_operands = 0 : i64, tpu.core_type = #tpu.core_type<tc>, window_params = [{transform_indices = @transform_0, window_bounds = array<i64: 2000, 128>}, {pipeline_mode = #tpu.pipeline_mode<synchronous>, transform_indices = @transform_1, window_bounds = array<i64: 128, 128>}, {transform_indices = @transform_2, window_bounds = array<i64: 2000, 128>}]} {
    %get3A = arith.constant 0 : index
    %get3A_0 = arith.constant 0 : index
    %get3A_1 = vector.load %arg1[%get3A, %get3A_0] : memref<2000x128xf32, #tpu.memory_space<vmem>>, vector<2000x128xf32>
    %get3A_2 = arith.constant 0 : index
    %get3A_3 = arith.constant 0 : index
    %get3A_4 = vector.load %arg2[%get3A_2, %get3A_3] : memref<128x128xf32, #tpu.memory_space<vmem>>, vector<128x128xf32>
    %dot_general3A = arith.constant dense<0.000000e+00> : vector<2000x128xf32>
    %dot_general3A_5 = tpu.matmul %get3A_1, %get3A_4, %dot_general3A {dimension_numbers = #tpu.dot_dimension_numbers<[1], [0], [0], [1], [0, 0, 1, 1], [], []>, transpose_lhs_hint = false} : vector<2000x128xf32>, vector<128x128xf32>, vector<2000x128xf32> -> vector<2000x128xf32>
    %swap3A = arith.constant 0 : index
    %swap3A_6 = arith.constant 0 : index
    %swap3A_7 = vector.load %arg3[%swap3A, %swap3A_6] : memref<2000x128xf32, #tpu.memory_space<vmem>>, vector<2000x128xf32>
    tpu.vector_store %arg3[%swap3A, %swap3A_6], %dot_general3A_5 {strides = array<i32>} : memref<2000x128xf32, #tpu.memory_space<vmem>>, vector<2000x128xf32>,
    return
  }
  func.func @transform_0(%arg0: i32) -> (i32, i32) {
    %c0_i32 = arith.constant 0 : i32
    %c0_i32_0 = arith.constant 0 : i32
    return %arg0, %c0_i32 : i32, i32
  }
  func.func @transform_1(%arg0: i32) -> (i32, i32) {
    %c0_i32 = arith.constant 0 : i32
    %c0_i32_0 = arith.constant 0 : i32
    %c0_i32_1 = arith.constant 0 : i32
    return %c0_i32, %c0_i32_0 : i32, i32
  }
  func.func @transform_2(%arg0: i32) -> (i32, i32) {
    %c0_i32 = arith.constant 0 : i32
    %c0_i32_0 = arith.constant 0 : i32
    return %arg0, %c0_i32 : i32, i32
  }
}

module attributes {stable_mosaic.version = 14 : i64} {
  func.func @_scale_body(%arg0: i32, %arg1: memref<2x2000x128xf32, #tpu.memory_space<vmem>>, %arg2: memref<2000x128xf32, #tpu.memory_space<vmem>>, %arg3: memref<2000x128xf32, #tpu.memory_space<vmem>>, %arg4: memref<2000x16xf32, #tpu.memory_space<vmem>>) attributes {dimension_semantics = [#tpu.dimension_semantics<arbitrary>], iteration_bounds = array<i64: 5>, scalar_prefetch = 0 : i64, scratch_operands = 0 : i64, tpu.core_type = #tpu.core_type<tc>, window_params = [{transform_indices = @transform_0, window_bounds = array<i64: 2, 2000, 128>}, {transform_indices = @transform_1, window_bounds = array<i64: 2000, 128>}, {transform_indices = @transform_2, window_bounds = array<i64: 2000, 128>}, {transform_indices = @transform_3, window_bounds = array<i64: 2000, 16>}]} {
    %get3A = arith.constant 0 : index
    %get3A_0 = arith.constant 0 : index
    %get3A_1 = arith.constant 0 : index
    %get3A_2 = vector.load %arg1[%get3A, %get3A_0, %get3A_1] : memref<2x2000x128xf32, #tpu.memory_space<vmem>>, vector<1x2000x128xf32>
    %get3A_3 = vector.shape_cast %get3A_2 : vector<1x2000x128xf32> to vector<2000x128xf32>
    %slice3A = vector.extract_strided_slice %get3A_3 {offsets = [0, 0], sizes = [2000, 16], strides = [1, 1]} : vector<2000x128xf32> to vector<2000x16xf32>
    %get3A_4 = arith.constant 1 : index
    %get3A_5 = arith.constant 0 : index
    %get3A_6 = arith.constant 0 : index
    %get3A_7 = vector.load %arg1[%get3A_4, %get3A_5, %get3A_6] : memref<2x2000x128xf32, #tpu.memory_space<vmem>>, vector<1x2000x128xf32>
    %get3A_8 = vector.shape_cast %get3A_7 : vector<1x2000x128xf32> to vector<2000x128xf32>
    %slice3A_9 = vector.extract_strided_slice %get3A_8 {offsets = [0, 0], sizes = [2000, 16], strides = [1, 1]} : vector<2000x128xf32> to vector<2000x16xf32>
    %add3A = arith.addf %slice3A, %slice3A_9 : vector<2000x16xf32>
    %add3A_10 = arith.constant 1.000000e+00 : f32
    %add3A_11 = vector.broadcast %add3A_10 : f32 to vector<2000x16xf32>
    %add3A_12 = arith.addf %add3A, %add3A_11 : vector<2000x16xf32>
    %rsqrt3A = math.rsqrt %add3A_12 : vector<2000x16xf32>
    %swap3A = arith.constant 0 : index
    %swap3A_13 = arith.constant 0 : index
    %swap3A_14 = vector.load %arg4[%swap3A, %swap3A_13] : memref<2000x16xf32, #tpu.memory_space<vmem>>, vector<2000x16xf32>
    tpu.vector_store %arg4[%swap3A, %swap3A_13], %rsqrt3A {strides = array<i32>} : memref<2000x16xf32, #tpu.memory_space<vmem>>, vector<2000x16xf32>,
    %get3A_15 = arith.constant 0 : index
    %get3A_16 = arith.constant 0 : index
    %get3A_17 = vector.load %arg2[%get3A_15, %get3A_16] : memref<2000x128xf32, #tpu.memory_space<vmem>>, vector<2000x128xf32>
    %slice3A_18 = vector.extract_strided_slice %rsqrt3A {offsets = [0, 0], sizes = [2000, 1], strides = [1, 1]} : vector<2000x16xf32> to vector<2000x1xf32>
    %mul3A = vector.broadcast %slice3A_18 : vector<2000x1xf32> to vector<2000x128xf32>
    %mul3A_19 = arith.mulf %get3A_17, %mul3A : vector<2000x128xf32>
    %swap3A_20 = arith.constant 0 : index
    %swap3A_21 = arith.constant 0 : index
    %swap3A_22 = vector.load %arg3[%swap3A_20, %swap3A_21] : memref<2000x128xf32, #tpu.memory_space<vmem>>, vector<2000x128xf32>
    tpu.vector_store %arg3[%swap3A_20, %swap3A_21], %mul3A_19 {strides = array<i32>} : memref<2000x128xf32, #tpu.memory_space<vmem>>, vector<2000x128xf32>,
    return
  }
  func.func @transform_0(%arg0: i32) -> (i32, i32, i32) {
    %c0_i32 = arith.constant 0 : i32
    %c0_i32_0 = arith.constant 0 : i32
    %c0_i32_1 = arith.constant 0 : i32
    return %c0_i32, %arg0, %c0_i32_0 : i32, i32, i32
  }
  func.func @transform_1(%arg0: i32) -> (i32, i32) {
    %c0_i32 = arith.constant 0 : i32
    %c0_i32_0 = arith.constant 0 : i32
    return %arg0, %c0_i32 : i32, i32
  }
  func.func @transform_2(%arg0: i32) -> (i32, i32) {
    %c0_i32 = arith.constant 0 : i32
    %c0_i32_0 = arith.constant 0 : i32
    return %arg0, %c0_i32 : i32, i32
  }
  func.func @transform_3(%arg0: i32) -> (i32, i32) {
    %c0_i32 = arith.constant 0 : i32
    %c0_i32_0 = arith.constant 0 : i32
    return %arg0, %c0_i32 : i32, i32
  }
}

module attributes {stable_mosaic.version = 14 : i64} {
  func.func @_mid_body(%arg0: i32, %arg1: memref<2x2000x128xf32, #tpu.memory_space<vmem>>, %arg2: memref<2000x128xf32, #tpu.memory_space<vmem>>, %arg3: memref<2000x16xf32, #tpu.memory_space<vmem>>, %arg4: memref<1x128xf32, #tpu.memory_space<vmem>>, %arg5: memref<128x128xf32, #tpu.memory_space<vmem>>, %arg6: memref<2000x128xf32, #tpu.memory_space<vmem>>, %arg7: memref<2000x128xf32, #tpu.memory_space<vmem>>) attributes {dimension_semantics = [#tpu.dimension_semantics<arbitrary>], iteration_bounds = array<i64: 5>, scalar_prefetch = 0 : i64, scratch_operands = 0 : i64, tpu.core_type = #tpu.core_type<tc>, window_params = [{transform_indices = @transform_0, window_bounds = array<i64: 2, 2000, 128>}, {transform_indices = @transform_1, window_bounds = array<i64: 2000, 128>}, {transform_indices = @transform_2, window_bounds = array<i64: 2000, 16>}, {pipeline_mode = #tpu.pipeline_mode<synchronous>, transform_indices = @transform_3, window_bounds = array<i64: 1, 128>}, {pipeline_mode = #tpu.pipeline_mode<synchronous>, transform_indices = @transform_4, window_bounds = array<i64: 128, 128>}, {transform_indices = @transform_5, window_bounds = array<i64: 2000, 128>}, {transform_indices = @transform_6, window_bounds = array<i64: 2000, 128>}]} {
    %get3A = arith.constant 0 : index
    %get3A_0 = arith.constant 0 : index
    %get3A_1 = vector.load %arg3[%get3A, %get3A_0] : memref<2000x16xf32, #tpu.memory_space<vmem>>, vector<2000x16xf32>
    %slice3A = vector.extract_strided_slice %get3A_1 {offsets = [0, 0], sizes = [2000, 1], strides = [1, 1]} : vector<2000x16xf32> to vector<2000x1xf32>
    %get3A_2 = arith.constant 0 : index
    %get3A_3 = arith.constant 0 : index
    %get3A_4 = arith.constant 0 : index
    %get3A_5 = vector.load %arg1[%get3A_2, %get3A_3, %get3A_4] : memref<2x2000x128xf32, #tpu.memory_space<vmem>>, vector<1x2000x128xf32>
    %get3A_6 = vector.shape_cast %get3A_5 : vector<1x2000x128xf32> to vector<2000x128xf32>
    %get3A_7 = arith.constant 1 : index
    %get3A_8 = arith.constant 0 : index
    %get3A_9 = arith.constant 0 : index
    %get3A_10 = vector.load %arg1[%get3A_7, %get3A_8, %get3A_9] : memref<2x2000x128xf32, #tpu.memory_space<vmem>>, vector<1x2000x128xf32>
    %get3A_11 = vector.shape_cast %get3A_10 : vector<1x2000x128xf32> to vector<2000x128xf32>
    %add3A = arith.addf %get3A_6, %get3A_11 : vector<2000x128xf32>
    %mul3A = vector.broadcast %slice3A : vector<2000x1xf32> to vector<2000x128xf32>
    %mul3A_12 = arith.mulf %mul3A, %add3A : vector<2000x128xf32>
    %mul3A_13 = arith.mulf %slice3A, %slice3A : vector<2000x1xf32>
    %get3A_14 = arith.constant 0 : index
    %get3A_15 = arith.constant 0 : index
    %get3A_16 = vector.load %arg2[%get3A_14, %get3A_15] : memref<2000x128xf32, #tpu.memory_space<vmem>>, vector<2000x128xf32>
    %mul3A_17 = vector.broadcast %mul3A_13 : vector<2000x1xf32> to vector<2000x128xf32>
    %mul3A_18 = arith.mulf %mul3A_17, %get3A_16 : vector<2000x128xf32>
    %add3A_19 = arith.addf %mul3A_12, %mul3A_18 : vector<2000x128xf32>
    %get3A_20 = arith.constant 0 : index
    %get3A_21 = arith.constant 0 : index
    %get3A_22 = vector.load %arg4[%get3A_20, %get3A_21] : memref<1x128xf32, #tpu.memory_space<vmem>>, vector<1x128xf32>
    %add3A_23 = vector.broadcast %get3A_22 : vector<1x128xf32> to vector<2000x128xf32>
    %add3A_24 = arith.addf %add3A_19, %add3A_23 : vector<2000x128xf32>
    %max3A = arith.constant 0.000000e+00 : f32
    %max3A_25 = vector.broadcast %max3A : f32 to vector<2000x128xf32>
    %max3A_26 = arith.maximumf %add3A_24, %max3A_25 : vector<2000x128xf32>
    %get3A_27 = arith.constant 0 : index
    %get3A_28 = arith.constant 0 : index
    %get3A_29 = vector.load %arg5[%get3A_27, %get3A_28] : memref<128x128xf32, #tpu.memory_space<vmem>>, vector<128x128xf32>
    %dot_general3A = arith.constant dense<0.000000e+00> : vector<2000x128xf32>
    %dot_general3A_30 = tpu.matmul %max3A_26, %get3A_29, %dot_general3A {dimension_numbers = #tpu.dot_dimension_numbers<[1], [0], [0], [1], [0, 0, 1, 1], [], []>, transpose_lhs_hint = false} : vector<2000x128xf32>, vector<128x128xf32>, vector<2000x128xf32> -> vector<2000x128xf32>
    %swap3A = arith.constant 0 : index
    %swap3A_31 = arith.constant 0 : index
    %swap3A_32 = vector.load %arg7[%swap3A, %swap3A_31] : memref<2000x128xf32, #tpu.memory_space<vmem>>, vector<2000x128xf32>
    tpu.vector_store %arg7[%swap3A, %swap3A_31], %dot_general3A_30 {strides = array<i32>} : memref<2000x128xf32, #tpu.memory_space<vmem>>, vector<2000x128xf32>,
    %mul3A_33 = vector.broadcast %slice3A : vector<2000x1xf32> to vector<2000x128xf32>
    %mul3A_34 = arith.mulf %dot_general3A_30, %mul3A_33 : vector<2000x128xf32>
    %swap3A_35 = arith.constant 0 : index
    %swap3A_36 = arith.constant 0 : index
    %swap3A_37 = vector.load %arg6[%swap3A_35, %swap3A_36] : memref<2000x128xf32, #tpu.memory_space<vmem>>, vector<2000x128xf32>
    tpu.vector_store %arg6[%swap3A_35, %swap3A_36], %mul3A_34 {strides = array<i32>} : memref<2000x128xf32, #tpu.memory_space<vmem>>, vector<2000x128xf32>,
    return
  }
  func.func @transform_0(%arg0: i32) -> (i32, i32, i32) {
    %c0_i32 = arith.constant 0 : i32
    %c0_i32_0 = arith.constant 0 : i32
    %c0_i32_1 = arith.constant 0 : i32
    return %c0_i32, %arg0, %c0_i32_0 : i32, i32, i32
  }
  func.func @transform_1(%arg0: i32) -> (i32, i32) {
    %c0_i32 = arith.constant 0 : i32
    %c0_i32_0 = arith.constant 0 : i32
    return %arg0, %c0_i32 : i32, i32
  }
  func.func @transform_2(%arg0: i32) -> (i32, i32) {
    %c0_i32 = arith.constant 0 : i32
    %c0_i32_0 = arith.constant 0 : i32
    return %arg0, %c0_i32 : i32, i32
  }
  func.func @transform_3(%arg0: i32) -> (i32, i32) {
    %c0_i32 = arith.constant 0 : i32
    %c0_i32_0 = arith.constant 0 : i32
    %c0_i32_1 = arith.constant 0 : i32
    return %c0_i32, %c0_i32_0 : i32, i32
  }
  func.func @transform_4(%arg0: i32) -> (i32, i32) {
    %c0_i32 = arith.constant 0 : i32
    %c0_i32_0 = arith.constant 0 : i32
    %c0_i32_1 = arith.constant 0 : i32
    return %c0_i32, %c0_i32_0 : i32, i32
  }
  func.func @transform_5(%arg0: i32) -> (i32, i32) {
    %c0_i32 = arith.constant 0 : i32
    %c0_i32_0 = arith.constant 0 : i32
    return %arg0, %c0_i32 : i32, i32
  }
  func.func @transform_6(%arg0: i32) -> (i32, i32) {
    %c0_i32 = arith.constant 0 : i32
    %c0_i32_0 = arith.constant 0 : i32
    return %arg0, %c0_i32 : i32, i32
  }
}

module attributes {stable_mosaic.version = 14 : i64} {
  func.func @_post_body(%arg0: i32, %arg1: memref<2x2000x128xf32, #tpu.memory_space<vmem>>, %arg2: memref<2000x128xf32, #tpu.memory_space<vmem>>, %arg3: memref<2000x16xf32, #tpu.memory_space<vmem>>, %arg4: memref<1x128xf32, #tpu.memory_space<vmem>>, %arg5: memref<2000x128xf32, #tpu.memory_space<vmem>>) attributes {dimension_semantics = [#tpu.dimension_semantics<arbitrary>], iteration_bounds = array<i64: 5>, scalar_prefetch = 0 : i64, scratch_operands = 0 : i64, tpu.core_type = #tpu.core_type<tc>, window_params = [{transform_indices = @transform_0, window_bounds = array<i64: 2, 2000, 128>}, {transform_indices = @transform_1, window_bounds = array<i64: 2000, 128>}, {transform_indices = @transform_2, window_bounds = array<i64: 2000, 16>}, {pipeline_mode = #tpu.pipeline_mode<synchronous>, transform_indices = @transform_3, window_bounds = array<i64: 1, 128>}, {transform_indices = @transform_4, window_bounds = array<i64: 2000, 128>}]} {
    %get3A = arith.constant 0 : index
    %get3A_0 = arith.constant 0 : index
    %get3A_1 = vector.load %arg3[%get3A, %get3A_0] : memref<2000x16xf32, #tpu.memory_space<vmem>>, vector<2000x16xf32>
    %slice3A = vector.extract_strided_slice %get3A_1 {offsets = [0, 0], sizes = [2000, 1], strides = [1, 1]} : vector<2000x16xf32> to vector<2000x1xf32>
    %get3A_2 = arith.constant 0 : index
    %get3A_3 = arith.constant 0 : index
    %get3A_4 = arith.constant 0 : index
    %get3A_5 = vector.load %arg1[%get3A_2, %get3A_3, %get3A_4] : memref<2x2000x128xf32, #tpu.memory_space<vmem>>, vector<1x2000x128xf32>
    %get3A_6 = vector.shape_cast %get3A_5 : vector<1x2000x128xf32> to vector<2000x128xf32>
    %get3A_7 = arith.constant 1 : index
    %get3A_8 = arith.constant 0 : index
    %get3A_9 = arith.constant 0 : index
    %get3A_10 = vector.load %arg1[%get3A_7, %get3A_8, %get3A_9] : memref<2x2000x128xf32, #tpu.memory_space<vmem>>, vector<1x2000x128xf32>
    %get3A_11 = vector.shape_cast %get3A_10 : vector<1x2000x128xf32> to vector<2000x128xf32>
    %add3A = arith.addf %get3A_6, %get3A_11 : vector<2000x128xf32>
    %mul3A = vector.broadcast %slice3A : vector<2000x1xf32> to vector<2000x128xf32>
    %mul3A_12 = arith.mulf %mul3A, %add3A : vector<2000x128xf32>
    %mul3A_13 = arith.mulf %slice3A, %slice3A : vector<2000x1xf32>
    %get3A_14 = arith.constant 0 : index
    %get3A_15 = arith.constant 0 : index
    %get3A_16 = vector.load %arg2[%get3A_14, %get3A_15] : memref<2000x128xf32, #tpu.memory_space<vmem>>, vector<2000x128xf32>
    %mul3A_17 = vector.broadcast %mul3A_13 : vector<2000x1xf32> to vector<2000x128xf32>
    %mul3A_18 = arith.mulf %mul3A_17, %get3A_16 : vector<2000x128xf32>
    %add3A_19 = arith.addf %mul3A_12, %mul3A_18 : vector<2000x128xf32>
    %get3A_20 = arith.constant 0 : index
    %get3A_21 = arith.constant 0 : index
    %get3A_22 = vector.load %arg4[%get3A_20, %get3A_21] : memref<1x128xf32, #tpu.memory_space<vmem>>, vector<1x128xf32>
    %add3A_23 = vector.broadcast %get3A_22 : vector<1x128xf32> to vector<2000x128xf32>
    %add3A_24 = arith.addf %add3A_19, %add3A_23 : vector<2000x128xf32>
    %swap3A = arith.constant 0 : index
    %swap3A_25 = arith.constant 0 : index
    %swap3A_26 = vector.load %arg5[%swap3A, %swap3A_25] : memref<2000x128xf32, #tpu.memory_space<vmem>>, vector<2000x128xf32>
    tpu.vector_store %arg5[%swap3A, %swap3A_25], %add3A_24 {strides = array<i32>} : memref<2000x128xf32, #tpu.memory_space<vmem>>, vector<2000x128xf32>,
    return
  }
  func.func @transform_0(%arg0: i32) -> (i32, i32, i32) {
    %c0_i32 = arith.constant 0 : i32
    %c0_i32_0 = arith.constant 0 : i32
    %c0_i32_1 = arith.constant 0 : i32
    return %c0_i32, %arg0, %c0_i32_0 : i32, i32, i32
  }
  func.func @transform_1(%arg0: i32) -> (i32, i32) {
    %c0_i32 = arith.constant 0 : i32
    %c0_i32_0 = arith.constant 0 : i32
    return %arg0, %c0_i32 : i32, i32
  }
  func.func @transform_2(%arg0: i32) -> (i32, i32) {
    %c0_i32 = arith.constant 0 : i32
    %c0_i32_0 = arith.constant 0 : i32
    return %arg0, %c0_i32 : i32, i32
  }
  func.func @transform_3(%arg0: i32) -> (i32, i32) {
    %c0_i32 = arith.constant 0 : i32
    %c0_i32_0 = arith.constant 0 : i32
    %c0_i32_1 = arith.constant 0 : i32
    return %c0_i32, %c0_i32_0 : i32, i32
  }
  func.func @transform_4(%arg0: i32) -> (i32, i32) {
    %c0_i32 = arith.constant 0 : i32
    %c0_i32_0 = arith.constant 0 : i32
    return %arg0, %c0_i32 : i32, i32
  }
}

</mosaic_0001>

<sc_bundles>
// kernel: kernel.12.cloned.1.call-start
scs
__scs_entry_jumppad:
0x0: {  	(pc) =	sbr.rel $0x88, $3  }
0x1: {  	(tag) =	ssettag $0x0;
	lr =	simm.s32 $0x1  }
0x2: {  	[smem:$0x3F9B] =	sst lr;
	_ =	strace $0xD0000000  }
0x3: {  	_ = 	snop  }
0x4: {  	_ = 	snop  }
0x5: {  	_ = 	snop  }
0x6: {  	_ = 	snop  }
0x7: {  	_ = 	snop  }
__scs_overlays_trampoline_lowered:
0x8: {  	[smem:$0x3FAA] =	sst s0  }
0x9: {  	[smem:$0x3FAB] =	sst s1  }
0xa: {  	[smem:$0x3FAC] =	sst s2  }
0xb: {  	[smem:$0x3FAD] =	sst s3  }
0xc: {  	[smem:$0x3FAE] =	sst s4  }
0xd: {  	[smem:$0x3FAF] =	sst s5  }
0xe: {  	[smem:$0x3FB0] =	sst s6  }
0xf: {  	[smem:$0x3FB1] =	sst s7  }
0x10: {  	[smem:$0x3FB2] =	sst s8  }
0x11: {  	[smem:$0x3FB3] =	sst s9;
	s0 =	simm.s32 @!p0 $0x0  }
0x12: {  	s1 =	sld [smem:$0x3F99];
	s0 =	simm.s32 @p0 $0x1  }
0x13: {  	[smem:$0x3FB4] =	sst s0;
	s0 =	simm.s32 @!p1 $0x0  }
0x14: {  	s2 =	sld [smem:$0x3F98];
	s0 =	simm.s32 @p1 $0x1  }
0x15: {  	[smem:$0x3FB5] =	sst s0;
	s0 =	simm.s32 @!p2 $0x0  }
0x16: {  	s3 =	sld [smem:$0x3FDB];
	s0 =	simm.s32 @p2 $0x1  }
0x17: {  	s4 =	simm.s32 $0x1BF5;
	[smem:$0x3FB7] =	sst s0  }
0x18: {  	s0 =	sld [smem:$0x3F9A];
	_ =	swait.ge [sflag:s4], $0x0  }
0x19: {  	s7 =	sld [smem:$0x3F9B]  }
0x1a: {  	s8 =	sadd.s32 $0xFFFFE003, lr  }
0x1b: {  	s9 =	sadd.s32 $0xFFFFFEF7, lr;
	s5 =	simm.s32 $0xFFFFFFFF;
	p2 =	slt.u32 s8, $0xFFFFF086  }
0x1c: {  	p1 =	slt.u32 s9, $0xF7A;
	s5 =	simm.s32 @!p2 $0x0  }
0x1d: {  	s5 =	simm.s32 @p1 $0x1;
	p0 =	seq.s32 s7, s2  }
0x1e: {  	s7 =	smul.u32 @!p0 $0xF7A, s2;
	p2 =	seq.s32 @!p0 s5, $0x0  }
0x1f: {  	s9 =	smul.u32 $0xF7A, s1;
	s8 =	simm.s32 @!p0 $0x1BF5;
	p2 =	por !p2, p0  }
0x20: {  	[sflag:s8] =	ssyncset.s32 @!p0 $0xFFFFF086;
	s6 =	sadd.s32 @!p0 s3, s7;
	s7 =	simm.s32 @!p0 $0x108  }
0x21: {  	s3 =	sadd.s32 s3, s9;
	s6 =	sadd.s32 @!p0 $0x88, s6;
	s7 =	simm.s32 @p2 $0x1082  }
0x22: {  	[simem:s7], [sflag:s8] =	dma.local @!p0 [hbm:s6], $0xF7A  }
0x23: {  	s9 =	sor.u32 $0xD0000000, s2;
	s6 =	simm.s32 $0x108;
	_ =	swait.ge @!p0 [sflag:s8], $0x0  }
0x24: {  	s3 =	sadd.s32 $0x88, s3;
	s6 =	simm.s32 @!p1 $0x1082;
	[sflag:s4] =	ssyncset.s32 $0xFFFFF086  }
0x25: {  	[simem:s6], [sflag:s4] =	dma.local [hbm:s3], $0xF7A  }
0x26: {  	[smem:$0x3F9B] =	sst s1;
	(tag) =	ssettag s2;
	_ =	strace s9  }
0x27: {  	s1 =	sld [smem:$0x3FAB]  }
0x28: {  	s2 =	sld [smem:$0x3FAC]  }
0x29: {  	s4 =	sld [smem:$0x3FAE]  }
0x2a: {  	p0 =	seq.s32 s5, $0x0;
	s5 =	sld [smem:$0x3FAF]  }
0x2b: {  	s6 =	sld [smem:$0x3FB0]  }
0x2c: {  	s7 =	sld [smem:$0x3FB1]  }
0x2d: {  	s3 =	simm.s32 $0x108;
	s8 =	sld [smem:$0x3FB2]  }
0x2e: {  	s3 =	simm.s32 @!p0 $0x1082;
	s9 =	sld [smem:$0x3FB3]  }
0x2f: {  	lr =	sadd.s32 s0, s3;
	s0 =	sld [smem:$0x3FAA]  }
0x30: {  	s3 =	sld [smem:$0x3FAD]  }
0x31: {  	[smem:$0x3FB6] =	sst s10  }
0x32: {  	s10 =	sld [smem:$0x3FB4];
	_ =	sdelay $0x3  }
0x33: {  	p0 =	seq.s32 s10, $0x1;
	s10 =	sld [smem:$0x3FB6];
	_ =	sdelay $0x3  }
0x34: {  	[smem:$0x3FB6] =	sst s10  }
0x35: {  	s10 =	sld [smem:$0x3FB5];
	_ =	sdelay $0x3  }
0x36: {  	p1 =	seq.s32 s10, $0x1;
	s10 =	sld [smem:$0x3FB6];
	_ =	sdelay $0x3  }
0x37: {  	[smem:$0x3FB6] =	sst s10  }
0x38: {  	s10 =	sld [smem:$0x3FB7]  }
0x39: {  	_ = 	snop;
	(pc) =	sbr.ind lr, $3  }
0x3a: {  	_ = 	snop  }
0x3b: {  	_ = 	snop  }
0x3c: {  	p2 =	seq.s32 s10, $0x1;
	s10 =	sld [smem:$0x3FB6]  }
0x3d: {  	_ =	shalt  }
0x3e: {  	_ =	shalt  }
0x3f: {  	_ =	shalt  }
0x40: {  	_ =	shalt  }
0x41: {  	_ =	shalt  }
0x42: {  	_ =	shalt  }
0x43: {  	_ =	shalt  }
0x44: {  	_ =	shalt  }
0x45: {  	_ =	shalt  }
0x46: {  	_ =	shalt  }
0x47: {  	_ =	shalt  }
0x48: {  	_ =	shalt  }
0x49: {  	_ =	shalt  }
0x4a: {  	_ =	shalt  }
0x4b: {  	_ =	shalt  }
0x4c: {  	_ =	shalt  }
0x4d: {  	_ =	shalt  }
0x4e: {  	_ =	shalt  }
0x4f: {  	_ =	shalt  }
0x50: {  	_ =	shalt  }
0x51: {  	_ =	shalt  }
0x52: {  	_ =	shalt  }
0x53: {  	_ =	shalt  }
0x54: {  	_ =	shalt  }
0x55: {  	_ =	shalt  }
0x56: {  	_ =	shalt  }
0x57: {  	_ =	shalt  }
0x58: {  	_ =	shalt  }
0x59: {  	_ =	shalt  }
0x5a: {  	_ =	shalt  }
0x5b: {  	_ =	shalt  }
0x5c: {  	_ =	shalt  }
0x5d: {  	_ =	shalt  }
0x5e: {  	_ =	shalt  }
0x5f: {  	_ =	shalt  }
0x60: {  	_ =	shalt  }
0x61: {  	_ =	shalt  }
0x62: {  	_ =	shalt  }
0x63: {  	_ =	shalt  }
0x64: {  	_ =	shalt  }
0x65: {  	_ =	shalt  }
0x66: {  	_ =	shalt  }
0x67: {  	_ =	shalt  }
0x68: {  	_ =	shalt  }
0x69: {  	_ =	shalt  }
0x6a: {  	_ =	shalt  }
0x6b: {  	_ =	shalt  }
0x6c: {  	_ =	shalt  }
0x6d: {  	_ =	shalt  }
0x6e: {  	_ =	shalt  }
0x6f: {  	_ =	shalt  }
0x70: {  	_ =	shalt  }
0x71: {  	_ =	shalt  }
0x72: {  	_ =	shalt  }
0x73: {  	_ =	shalt  }
0x74: {  	_ =	shalt  }
0x75: {  	_ =	shalt  }
0x76: {  	_ =	shalt  }
0x77: {  	_ =	shalt  }
0x78: {  	_ =	shalt  }
0x79: {  	_ =	shalt  }
0x7a: {  	_ =	shalt  }
0x7b: {  	_ =	shalt  }
0x7c: {  	_ =	shalt  }
0x7d: {  	_ =	shalt  }
0x7e: {  	_ =	shalt  }
0x7f: {  	_ =	shalt  }
0x80: {  	_ =	shalt  }
0x81: {  	_ =	shalt  }
0x82: {  	_ =	shalt  }
0x83: {  	_ =	shalt  }
0x84: {  	_ =	shalt  }
0x85: {  	_ =	shalt  }
0x86: {  	_ =	shalt  }
0x87: {  	_ =	shalt  }
.Lfunc_end0:
.L_simem_size_0:
called_computation.1_lowered:
.L_overlay_start_0:
0x88: {  	s2 =	sld [smem:$0x3FD9]  }
0x89: {  	s3 =	sld [smem:$0x3FFE];
	_ =	sdelay $0x1  }
0x8a: {  	s1 =	srdreg.scid  }
0x8b: {  	s0 =	sand.u32 $0x1, s1  }
0x8c: {  	s17 =	sshll.u32 s0, $0xA;
	s2 =	sadd.s32 s3, s2  }
0x8d: {  	s2 =	sadd.s32 s2, s17  }
0x8e: {  	[smem:$0x3FC2] =	sst s2  }
0x8f: {  	_ = 	snop  }
0x90: {  	s2 =	sld [smem:$0x3FD0];
	(tm) =	ssettm $0x1  }
0x91: {  	s18 =	sld [smem:$0x3FFB];
	_ =	sdelay $0x3  }
0x92: {  	_ =	strace s18  }
0x93: {  	s3 =	sld [smem:$0x3FFC];
	_ =	sdelay $0x3  }
0x94: {  	_ =	strace s3  }
0x95: {  	s3 =	sld [smem:$0x3FFD];
	_ =	sdelay $0x3  }
0x96: {  	_ =	strace s3  }
0x97: {  	_ =	strace $0x8FFFFFFF  }
0x98: {  	s19 =	sld [smem:$0x3FDB];
	_ =	sdelay $0x1  }
0x99: {  	s4 =	simm.s32 $_scs_section_size  }
0x9a: {  	s5 =	simm.s32 $_size__tile_overlayer_lowered;
	s6 =	simm.s32 $_tile_overlayer_lowered  }
0x9b: {  	s22 =	simm.s32 $0x1BFF;
	s21 =	sshll.u32 s6, $0x1;
	s3 =	sadd.s32 s4, s19  }
0x9c: {  	s7 =	simm.s32 $0x0;
	s20 =	sshll.u32 s5, $0x1;
	s5 =	sadd.s32 s21, s3  }
0x9d: {  	[timem:s7], [sflag:s22] =	dma.local [hbm:s5], s20  }
0x9e: {  	_ =	swait.ge [sflag:s22], s20  }
0x9f: {  	s4 =	ssub.s32 $0x0, s20;
	[sflag:s22] =	ssyncset.done $0x0  }
0xa0: {  	[sflag:s22] =	ssyncadd.s32 s4;
	_ =	sdelay $0x1  }
0xa1: {  	s23 =	simm.s32 $0x1B8B  }
0xa2: {  	_ =	swait.ge [sflag:s23], $0x1  }
0xa3: {  	[sflag:s23] =	ssyncset.done $0x0  }
0xa4: {  	s25 =	simm.s32 $0x1B8E;
	s24 =	sld [smem:$0x3FFE];
	[sflag:s23] =	ssyncadd.s32 $0xFFFFFFFF  }
0xa5: {  	s26 =	simm.s32 $execute0_lowered;
	[smem:$0x3FD2] =	sst s25  }
0xa6: {  	s5 =	sshll.u32 s26, $0x1;
	_ =	strace $0x80000049;
	[dreg:$0x1] =	wrdreg $0xFFFFFFFF  }
0xa7: {  	s28 =	simm.s32 $_size_execute0_lowered;
	s3 =	sadd.s32 s3, s5;
	[dreg:$0x0] =	wrdreg $0x0  }
0xa8: {  	s5 =	sshll.u32 s28, $0x1;
	[dreg:$0x2] =	wrdreg s3  }
0xa9: {  	[dreg:$0x3] =	wrdreg s5  }
0xaa: {  	[dreg:$0x4] =	wrdreg $0xC0  }
0xab: {  	_ =	task [dreg:s7], $0x5FFFF  }
0xac: {  	[dreg:$0x1] =	wrdreg $0xFFFFFFFF  }
0xad: {  	[dreg:$0x0] =	wrdreg $0x60  }
0xae: {  	[dreg:$0x2] =	wrdreg s2  }
0xaf: {  	[dreg:$0x3] =	wrdreg s24  }
0xb0: {  	[dreg:$0x4] =	wrdreg $0x52000  }
0xb1: {  	[dreg:$0x5] =	wrdreg $0x9  }
0xb2: {  	_ =	task.clear_ibuf [dreg:s7], $0x6FFFF;
	_ =	strace $0x90000049  }
0xb3: {  	s29 =	simm.s32 $0x9;
	_ =	strace $0x8000004B  }
0xb4: {  	_ =	swait.ge [sflag:s29], $0x1  }
0xb5: {  	[sflag:s29] =	ssyncadd.s32 $0xFFFFFFFF  }
0xb6: {  	_ =	strace $0x9000004B  }
0xb7: {  	_ =	sfence  }
0xb8: {  	s30 =	sld [smem:$0x0];
	_ =	sdelay $0x2  }
0xb9: {  	s31 =	sshll.u32 s1, $0xD;
	s1 =	sshrl.u32 s1, $0x2  }
0xba: {  	s3 =	sand.u32 $0x4000, s31;
	s1 =	sadd.s32 s1, s30  }
0xbb: {  	s0 =	sor.u32 s3, s0;
	s1 =	sshll.u32 s1, $0x11  }
0xbc: {  	s0 =	sor.u32 s1, s0  }
0xbd: {  	s0 =	sadd.s32 $0x8F2B, s0  }
0xbe: {  	[sflag:s0] =	ssyncadd.remote.s32 $0x1  }
0xbf: {  	_ =	sfence.sel $0xFFFF  }
0xc0: {  	[dreg:$0x0] =	wrdreg $0xFFFFFFFF;
	(pc) =	sbr.abs _section_cstart, $3  }
0xc1: {  	[dreg:$0x1] =	wrdreg $0xFFFFFFFF  }
0xc2: {  	_ =	task.clear_ibuf [dreg:s7], $0x2FFFF;
	_ =	strace $0x9FFFFFFF  }
0xc3: {  	(tm) =	ssettm $0x7FFFFFFF  }
tec
execute0_lowered:
.L_overlay_start_1:
0x0: {  	(tag) =	ssettag $0x1  }
0x1: {  	s1 =	rddreg [dreg:$0x0]  }
0x2: {  	s6 =	rddreg [dreg:$0x1]  }
0x3: {  	s2 =	rddreg [dreg:$0x2]  }
0x4: {  	s0 =	rddreg [dreg:$0x3];
	s4 =	simm.s32 $0x0;
	s3 =	srdreg.scid  }
0x5: {  	s17 =	simm.s32 $0x50;
	s18 =	simm.s32 $0x200;
	s7 =	sand.u32 $0x1, s3  }
0x6: {  	s19 =	simm.s32 $0x0;
	s3 =	stileid.u32;
	s8 =	smul.u32 $0x140000, s7  }
0x7: {  	[smem:$0x7FF] =	sst s4;
	s13 =	sadd.s32 $0x54E00, s6;
	s9 =	smul.u32 $0x14000, s3  }
0x8: {  	s12 =	sadd.s32 $0x5EC00, s6;
	s5 =	sadd.s32 $0x2600, s6;
	s10 =	smul.u32 $0x64, s3  }
0x9: {  	_ =	strace $0x8000004A;
	s24 =	ssub.s32 $0x2, s7;
	s14 =	smul.u32 $0x98, s3  }
0xa: {  	s15 =	smul.u32 $0x50000, s3;
	p0 =	seq.s32 s7, $0x0;
	s7 =	simm.s32 $0x98  }
0xb: {  	s26 =	sshll.u32 s3, $0x6;
	s11 =	sshrl.u32 s24, $0x1;
	s7 =	simm.s32 @!p0 $0x64  }
0xc: {  	s8 =	sadd.s32 s9, s8;
	s10 =	sadd.s32 $0x980, s10;
	s11 =	ssub.s32 s24, s11  }
0xd: {  	s25 =	sshrl.u32 s15, $0x2;
	s15 =	simm.s32 $0x3;
	s10 =	smov.u32 @p0 s14  }
0xe: {  	s8 =	sshrl.u32 s8, $0x3;
	s29 =	sadd.s32 s25, s2;
	s28 =	smul.u32 $0x50, s10  }
0xf: {  	s11 =	smax.u32 s11, $0x1;
	s16 =	sadd.s32 s8, s6;
	s6 =	sor.u32 $0x1C03, s26  }
0x10: {  	s31 =	smul.u32 $0xA, s10;
	s14 =	sshrl.u32 s29, $0x3;
	s30 =	sshrl.u32 s28, $0x3  }
0x11: {  	s10 =	sadd.s32 $0x4E00, s16;
	s16 =	simm.s32 $0x80;
	s8 =	sadd.s32 s13, s30  }
0x12: {  	s9 =	sadd.s32 s12, s30;
	s12 =	sadd.s32 s31, s12;
	s13 =	sadd.s32 s31, s13  }
.LBB2_1:
0x13: {  	[spmem:s14], [sflag:s6] =	dma.local [hbm:s5], $0x2800  }
0x14: {  	_ =	swait.ge [sflag:s15], $0x2800  }
0x15: {  	[sflag:s15] =	ssyncset.done $0x0  }
0x16: {  	[sflag:s15] =	ssyncadd.s32 $0xFFFFD800  }
0x17: {  	[bflag:$0x0] =	sbarrier.arrive $0xFFFF  }
0x18: {  	[tilespmem:s4], [sflag:$0x3] =	stream.linear.gather [hbm4b:s8+s4], $0x50, $0x38;
	[tilespmem:$0x19200] =	vst v63  }
0x19: {  	_ =	swait.ge [sflag:s15], $0x50  }
0x1a: {  	[sflag:s15] =	ssyncset.done $0x0  }
0x1b: {  	[sflag:s15] =	ssyncadd.s32 $0xFFFFFFB0  }
0x1c: {  	[tilespmem:s16], [sflag:$0x3] =	stream.linear.gather [hbm4b:s9+s4], $0x50, $0x38;
	[tilespmem:$0x19200] =	vst v63  }
0x1d: {  	_ =	swait.ge [sflag:s15], $0x50  }
0x1e: {  	p0 =	sle.u32 s7, $0x0;
	[sflag:s15] =	ssyncset.done $0x0  }
0x1f: {  	s20 =	sadd.s32 @!p0 $0x0, s13;
	s21 =	simm.s32 @!p0 $0x4;
	[sflag:s15] =	ssyncadd.s32 $0xFFFFFFB0  }
0x20: {  	[tilespmem:s18], [sflag:$0x1] =	stream.indirect.gather [hbm4b:s1+s17], $0x80, s4, s17, $0xb8;
	[tilespmem:$0x19200] =	vst v63  }
0x21: {  	s22 =	simm.s32 @!p0 $0x0;
	s23 =	simm.s32 @!p0 $0x100;
	s20 =	sadd.s32 @!p0 $0xA, s20  }
0x22: {  	[tilespmem:s23], [sflag:$0x4] =	stream.linear.gather @!p0 [hbm4b:s20+s22], $0x50, $0x38;
	[tilespmem:$0x19200] =	vst v63  }
0x23: {  	_ =	swait.ge @!p0 [sflag:s21], $0x50  }
0x24: {  	s20 =	sadd.s32 @!p0 $0x0, s12;
	[sflag:s21] =	ssyncset.done @!p0 $0x0  }
0x25: {  	s25 =	simm.s32 @!p0 $0x180;
	s20 =	sadd.s32 @!p0 $0xA, s20;
	[sflag:s21] =	ssyncadd.s32 @!p0 $0xFFFFFFB0  }
0x26: {  	[tilespmem:s25], [sflag:$0x4] =	stream.linear.gather @!p0 [hbm4b:s20+s22], $0x50, $0x38;
	[tilespmem:$0x19200] =	vst v63  }
0x27: {  	_ =	swait.ge @!p0 [sflag:s21], $0x50;
	p0 =	por p0, p0  }
0x28: {  	[sflag:s21] =	ssyncset.done @!p0 $0x0;
	s20 =	simm.s32 @!p0 $0x1  }
0x29: {  	s22 =	simm.s32 @!p0 $0x50;
	s26 =	simm.s32 @!p0 $0x2A00;
	[sflag:s21] =	ssyncadd.s32 @!p0 $0xFFFFFFB0  }
0x2a: {  	[tilespmem:s26], [sflag:$0x2] =	stream.indirect.gather @!p0 [hbm4b:s1+s22], $0x80, s23, s22, $0xb8;
	[tilespmem:$0x19200] =	vst v63  }
0x2b: {  	_ =	swait.ge @!p0 [sflag:s20], $0x2800  }
0x2c: {  	p1 =	sle.u32 @!p0 s7, $0x2;
	[sflag:s20] =	ssyncset.done @!p0 $0x0  }
0x2d: {  	s23 =	simm.s32 @!p0 $0x200;
	[sflag:s20] =	ssyncadd.s32 @!p0 $0xFFFFD800;
	s20 =	simm.s32 @!p0 $0x80  }
0x2e: {  	[spmem:s2] =	stream.indirect.scatter.add.f32 @!p0 [tilespmem:s23], [sflag:$0x4], $0x80, s20, s22, $0xb8;
	[tilespmem:$0x19200] =	vst v63  }
0x2f: {  	p1 =	por p1, p0;
	_ =	swait.ge @!p0 [sflag:s21], $0x2800  }
0x30: {  	s20 =	sadd.s32 @!p1 $0x0, s13;
	s23 =	simm.s32 @!p1 $0x4;
	[sflag:s21] =	ssyncset.done @!p0 $0x0  }
0x31: {  	s20 =	sadd.s32 @!p1 $0x14, s20;
	[sflag:s21] =	ssyncadd.s32 @!p0 $0xFFFFD800;
	s21 =	simm.s32 @!p1 $0x0  }
0x32: {  	[tilespmem:s21], [sflag:$0x4] =	stream.linear.gather @!p1 [hbm4b:s20+s21], $0x50, $0x38;
	[tilespmem:$0x19200] =	vst v63  }
0x33: {  	_ =	swait.ge @!p1 [sflag:s23], $0x50  }
0x34: {  	s20 =	sadd.s32 @!p1 $0x0, s12;
	[sflag:s23] =	ssyncset.done @!p1 $0x0  }
0x35: {  	s24 =	simm.s32 @!p1 $0x80;
	s20 =	sadd.s32 @!p1 $0x14, s20;
	[sflag:s23] =	ssyncadd.s32 @!p1 $0xFFFFFFB0  }
0x36: {  	[tilespmem:s24], [sflag:$0x4] =	stream.linear.gather @!p1 [hbm4b:s20+s21], $0x50, $0x38;
	[tilespmem:$0x19200] =	vst v63  }
0x37: {  	_ =	swait.ge @!p1 [sflag:s23], $0x50  }
0x38: {  	s20 =	simm.s32 @!p0 $0x2;
	[sflag:s23] =	ssyncset.done @!p1 $0x0  }
0x39: {  	s24 =	simm.s32 @!p1 $0x200;
	[sflag:s23] =	ssyncadd.s32 @!p1 $0xFFFFFFB0;
	s23 =	simm.s32 @!p1 $0x50  }
0x3a: {  	[tilespmem:s24], [sflag:$0x1] =	stream.indirect.gather @!p1 [hbm4b:s1+s23], $0x80, s21, s23, $0xb8;
	[tilespmem:$0x19200] =	vst v63  }
0x3b: {  	_ =	swait.ge @!p0 [sflag:s20], $0x2800  }
0x3c: {  	[sflag:s20] =	ssyncset.done @!p0 $0x0  }
0x3d: {  	s24 =	simm.s32 @!p0 $0x3;
	[sflag:s20] =	ssyncadd.s32 @!p0 $0xFFFFD800  }
0x3e: {  	[spmem:s2] =	stream.indirect.scatter.add.f32 @!p0 [tilespmem:s26], [sflag:$0x3], $0x80, s25, s22, $0xb8;
	[tilespmem:$0x19200] =	vst v63  }
0x3f: {  	p2 =	sle.u32 s7, $0x2;
	s21 =	simm.s32 $0x4;
	_ =	swait.ge @!p0 [sflag:s24], $0x2800  }
0x40: {  	s20 =	simm.s32 $0x14;
	s22 =	simm.s32 $0x28;
	[sflag:s24] =	ssyncset.done @!p0 $0x0  }
.LBB2_2:
0x41: {  	s23 =	sadd.s32 @!p2 s20, s13;
	s25 =	simm.s32 @!p2 $0x4;
	[sflag:s24] =	ssyncadd.s32 @!p0 $0xFFFFD800  }
0x42: {  	s24 =	simm.s32 @!p2 $0x0;
	s26 =	simm.s32 @!p2 $0x100;
	s23 =	sadd.s32 @!p2 $0xA, s23  }
0x43: {  	[tilespmem:s26], [sflag:$0x4] =	stream.linear.gather @!p2 [hbm4b:s23+s24], $0x50, $0x38;
	[tilespmem:$0x19200] =	vst v63  }
0x44: {  	s28 =	smov.u32 s22;
	s22 =	sadd.s32 $0x14, s22;
	_ =	swait.ge @!p2 [sflag:s25], $0x50  }
0x45: {  	p1 =	sne.s32 s22, $0x5F0;
	s23 =	sadd.s32 @!p2 s20, s12;
	[sflag:s25] =	ssyncset.done @!p2 $0x0  }
0x46: {  	s29 =	sadd.s32 @!p2 $0xA, s23;
	s23 =	simm.s32 @!p2 $0x180;
	[sflag:s25] =	ssyncadd.s32 @!p2 $0xFFFFFFB0  }
0x47: {  	[tilespmem:s23], [sflag:$0x4] =	stream.linear.gather @!p2 [hbm4b:s29+s24], $0x50, $0x38;
	[tilespmem:$0x19200] =	vst v63  }
0x48: {  	p0 =	por p2, p2;
	_ =	swait.ge @!p2 [sflag:s25], $0x50  }
0x49: {  	s24 =	simm.s32 @!p0 $0x1;
	[sflag:s25] =	ssyncset.done @!p0 $0x0  }
0x4a: {  	s30 =	simm.s32 @!p0 $0x2A00;
	s29 =	simm.s32 @!p0 $0x50;
	[sflag:s25] =	ssyncadd.s32 @!p0 $0xFFFFFFB0  }
0x4b: {  	[tilespmem:s30], [sflag:$0x2] =	stream.indirect.gather @!p0 [hbm4b:s1+s29], $0x80, s26, s29, $0xb8;
	[tilespmem:$0x19200] =	vst v63  }
0x4c: {  	_ =	swait.ge @!p0 [sflag:s24], $0x2800  }
0x4d: {  	p2 =	sge.u32 @!p0 s21, s7;
	[sflag:s24] =	ssyncset.done @!p0 $0x0  }
0x4e: {  	s26 =	simm.s32 @!p0 $0x200;
	[sflag:s24] =	ssyncadd.s32 @!p0 $0xFFFFD800;
	s24 =	simm.s32 @!p0 $0x80  }
0x4f: {  	[spmem:s2] =	stream.indirect.scatter.add.f32 @!p0 [tilespmem:s26], [sflag:$0x4], $0x80, s24, s29, $0xb8;
	[tilespmem:$0x19200] =	vst v63  }
0x50: {  	p2 =	por p2, p0;
	_ =	swait.ge @!p0 [sflag:s25], $0x2800  }
0x51: {  	s24 =	sadd.s32 @!p2 s20, s13;
	s26 =	simm.s32 @!p2 $0x4;
	[sflag:s25] =	ssyncset.done @!p0 $0x0  }
0x52: {  	s24 =	sadd.s32 @!p2 $0x14, s24;
	[sflag:s25] =	ssyncadd.s32 @!p0 $0xFFFFD800;
	s25 =	simm.s32 @!p2 $0x0  }
0x53: {  	[tilespmem:s25], [sflag:$0x4] =	stream.linear.gather @!p2 [hbm4b:s24+s25], $0x50, $0x38;
	[tilespmem:$0x19200] =	vst v63  }
0x54: {  	s24 =	sadd.s32 @!p2 s20, s12;
	s20 =	smov.u32 s28;
	_ =	swait.ge @!p2 [sflag:s26], $0x50  }
0x55: {  	s24 =	sadd.s32 @!p2 $0x14, s24;
	[sflag:s26] =	ssyncset.done @!p2 $0x0  }
0x56: {  	s28 =	simm.s32 @!p2 $0x80;
	[sflag:s26] =	ssyncadd.s32 @!p2 $0xFFFFFFB0  }
0x57: {  	[tilespmem:s28], [sflag:$0x4] =	stream.linear.gather @!p2 [hbm4b:s24+s25], $0x50, $0x38;
	[tilespmem:$0x19200] =	vst v63  }
0x58: {  	_ =	swait.ge @!p2 [sflag:s26], $0x50  }
0x59: {  	s24 =	simm.s32 @!p0 $0x2;
	[sflag:s26] =	ssyncset.done @!p2 $0x0  }
0x5a: {  	s28 =	simm.s32 @!p2 $0x200;
	[sflag:s26] =	ssyncadd.s32 @!p2 $0xFFFFFFB0;
	s26 =	simm.s32 @!p2 $0x50  }
0x5b: {  	[tilespmem:s28], [sflag:$0x1] =	stream.indirect.gather @!p2 [hbm4b:s1+s26], $0x80, s25, s26, $0xb8;
	[tilespmem:$0x19200] =	vst v63  }
0x5c: {  	_ =	swait.ge @!p0 [sflag:s24], $0x2800  }
.Ltmp0:
0x5d: {  	[sflag:s24] =	ssyncset.done @!p0 $0x0;
	(pc) =	sbr.rel @p1 .LBB2_2-.Ltmp0, $4  }
0x5e: {  	s21 =	sadd.s32 $0x2, s21;
	[sflag:s24] =	ssyncadd.s32 @!p0 $0xFFFFD800;
	s24 =	simm.s32 @!p0 $0x3  }
0x5f: {  	[spmem:s2] =	stream.indirect.scatter.add.f32 @!p0 [tilespmem:s30], [sflag:$0x3], $0x80, s23, s29, $0xb8;
	[tilespmem:$0x19200] =	vst v63  }
0x60: {  	s23 =	sadd.s32 $0xFFFFFFFE, s21;
	_ =	swait.ge @!p0 [sflag:s24], $0x2800  }
0x61: {  	p2 =	sge.u32 s23, s7;
	[sflag:s24] =	ssyncset.done @!p0 $0x0  }
0x62: {  	s22 =	sadd.s32 @!p2 s20, s13;
	s23 =	simm.s32 @!p2 $0x4;
	[sflag:s24] =	ssyncadd.s32 @!p0 $0xFFFFD800  }
0x63: {  	s24 =	simm.s32 @!p2 $0x0;
	s25 =	simm.s32 @!p2 $0x100;
	s22 =	sadd.s32 @!p2 $0xA, s22  }
0x64: {  	[tilespmem:s25], [sflag:$0x4] =	stream.linear.gather @!p2 [hbm4b:s22+s24], $0x50, $0x38;
	[tilespmem:$0x19200] =	vst v63  }
0x65: {  	_ =	swait.ge @!p2 [sflag:s23], $0x50  }
0x66: {  	s22 =	sadd.s32 @!p2 s20, s12;
	[sflag:s23] =	ssyncset.done @!p2 $0x0  }
0x67: {  	s26 =	simm.s32 @!p2 $0x180;
	s22 =	sadd.s32 @!p2 $0xA, s22;
	[sflag:s23] =	ssyncadd.s32 @!p2 $0xFFFFFFB0  }
0x68: {  	[tilespmem:s26], [sflag:$0x4] =	stream.linear.gather @!p2 [hbm4b:s22+s24], $0x50, $0x38;
	[tilespmem:$0x19200] =	vst v63  }
0x69: {  	p0 =	por p2, p2;
	_ =	swait.ge @!p2 [sflag:s23], $0x50  }
0x6a: {  	s28 =	simm.s32 @!p0 $0x2A00;
	[sflag:s23] =	ssyncset.done @!p0 $0x0  }
0x6b: {  	s22 =	simm.s32 @!p0 $0x1;
	s24 =	simm.s32 @!p0 $0x50;
	[sflag:s23] =	ssyncadd.s32 @!p0 $0xFFFFFFB0  }
0x6c: {  	[tilespmem:s28], [sflag:$0x2] =	stream.indirect.gather @!p0 [hbm4b:s1+s24], $0x80, s25, s24, $0xb8;
	[tilespmem:$0x19200] =	vst v63  }
0x6d: {  	_ =	swait.ge @!p0 [sflag:s22], $0x2800  }
0x6e: {  	p1 =	sge.u32 @!p0 s21, s7;
	[sflag:s22] =	ssyncset.done @!p0 $0x0  }
0x6f: {  	s21 =	simm.s32 @!p0 $0x80;
	[sflag:s22] =	ssyncadd.s32 @!p0 $0xFFFFD800;
	s22 =	simm.s32 @!p0 $0x200  }
0x70: {  	[spmem:s2] =	stream.indirect.scatter.add.f32 @!p0 [tilespmem:s22], [sflag:$0x4], $0x80, s21, s24, $0xb8;
	[tilespmem:$0x19200] =	vst v63  }
0x71: {  	p1 =	por p1, p0;
	_ =	swait.ge @!p0 [sflag:s23], $0x2800  }
0x72: {  	s21 =	sadd.s32 @!p1 s20, s13;
	s22 =	simm.s32 @!p1 $0x4;
	[sflag:s23] =	ssyncset.done @!p0 $0x0  }
0x73: {  	s21 =	sadd.s32 @!p1 $0x14, s21;
	[sflag:s23] =	ssyncadd.s32 @!p0 $0xFFFFD800;
	s23 =	simm.s32 @!p1 $0x0  }
0x74: {  	[tilespmem:s23], [sflag:$0x4] =	stream.linear.gather @!p1 [hbm4b:s21+s23], $0x50, $0x38;
	[tilespmem:$0x19200] =	vst v63  }
0x75: {  	_ =	swait.ge @!p1 [sflag:s22], $0x50  }
0x76: {  	s20 =	sadd.s32 @!p1 s20, s12;
	[sflag:s22] =	ssyncset.done @!p1 $0x0  }
0x77: {  	s20 =	sadd.s32 @!p1 $0x14, s20;
	s21 =	simm.s32 @!p1 $0x80;
	[sflag:s22] =	ssyncadd.s32 @!p1 $0xFFFFFFB0  }
0x78: {  	[tilespmem:s21], [sflag:$0x4] =	stream.linear.gather @!p1 [hbm4b:s20+s23], $0x50, $0x38;
	[tilespmem:$0x19200] =	vst v63  }
0x79: {  	_ =	swait.ge @!p1 [sflag:s22], $0x50  }
0x7a: {  	s20 =	simm.s32 @!p0 $0x2;
	[sflag:s22] =	ssyncset.done @!p1 $0x0  }
0x7b: {  	s21 =	simm.s32 @!p1 $0x50;
	[sflag:s22] =	ssyncadd.s32 @!p1 $0xFFFFFFB0;
	s22 =	simm.s32 @!p1 $0x200  }
0x7c: {  	[tilespmem:s22], [sflag:$0x1] =	stream.indirect.gather @!p1 [hbm4b:s1+s21], $0x80, s23, s21, $0xb8;
	[tilespmem:$0x19200] =	vst v63  }
0x7d: {  	_ =	swait.ge @!p0 [sflag:s20], $0x2800  }
0x7e: {  	[sflag:s20] =	ssyncset.done @!p0 $0x0  }
0x7f: {  	[sflag:s20] =	ssyncadd.s32 @!p0 $0xFFFFD800;
	s20 =	simm.s32 @!p0 $0x3  }
0x80: {  	[spmem:s2] =	stream.indirect.scatter.add.f32 @!p0 [tilespmem:s28], [sflag:$0x3], $0x80, s26, s24, $0xb8;
	[tilespmem:$0x19200] =	vst v63  }
0x81: {  	_ =	swait.ge @!p0 [sflag:s20], $0x2800  }
0x82: {  	s19 =	sadd.s32 $0x1, s19;
	[sflag:s20] =	ssyncset.done @!p0 $0x0  }
0x83: {  	[sflag:s20] =	ssyncadd.s32 @!p0 $0xFFFFD800;
	p0 =	sne.s32 s19, s11  }
.Ltmp1:
0x84: {  	[bflag:$0x0] =	sbarrier.arrive $0xFFFF;
	(pc) =	sbr.rel @p0 .LBB2_1-.Ltmp1, $4  }
0x85: {  	[hbm:s10], [sflag:s6] =	dma.local [spmem:s14], $0x2800  }
0x86: {  	_ =	swait.ge [sflag:s15], $0x2800  }
0x87: {  	[sflag:s15] =	ssyncset.done $0x0  }
0x88: {  	[sflag:s15] =	ssyncadd.s32 $0xFFFFD800  }
0x89: {  	_ =	sfence.sel $0x180000  }
0x8a: {  	[bflag:$0x0] =	sbarrier.arrive $0xFFFF  }
0x8b: {  	p0 =	sne.s32 s3, $0x0;
	_ =	strace $0x9000004A  }
0x8c: {  	s0 =	sadd.s32 @!p0 $0x100000, s0;
	[bflag:$0x2] =	sbarrier.arrive $0xFFFF  }
0x8d: {  	[sflag:s0] =	ssyncadd.tile.s32 @!p0 $0x1;
	_ =	shalt  }
.Lfunc_end2:
_tile_overlayer_lowered:
.L_overlay_start_2:
0x8e: {  	(tag) =	ssettag $0x2  }
0x8f: {  	s0 =	rddreg [dreg:$0x0];
	s2 =	stileid.u32  }
0x90: {  	s1 =	rddreg [dreg:$0x1];
	p0 =	sne.s32 s2, $0x0  }
0x91: {  	s3 =	rddreg [dreg:$0x2];
	[bflag:$0x3] =	sbarrier.arrive $0xFFFF;
	s2 =	simm.s32 @!p0 $0x1C03  }
0x92: {  	[timem:s3], [sflag:s2] =	dma.local @!p0 [hbm:s0], s1  }
0x93: {  	s0 =	simm.s32 @!p0 $0x3  }
0x94: {  	_ =	swait.ge @!p0 [sflag:s0], s1  }
0x95: {  	s1 =	ssub.s32 @!p0 $0x0, s1;
	[sflag:s0] =	ssyncset.done @!p0 $0x0  }
0x96: {  	[sflag:s0] =	ssyncadd.s32 @!p0 s1  }
0x97: {  	[bflag:$0x3] =	sbarrier.arrive $0xFFFF  }
0x98: {  	_ =	shalt  }

// kernel: kernel.15.cloned.1.call-start
scs
__scs_entry_jumppad:
0x0: {  	(pc) =	sbr.rel $0x88, $3  }
0x1: {  	(tag) =	ssettag $0x0;
	lr =	simm.s32 $0x1  }
0x2: {  	[smem:$0x3F9B] =	sst lr;
	_ =	strace $0xD0000000  }
0x3: {  	_ = 	snop  }
0x4: {  	_ = 	snop  }
0x5: {  	_ = 	snop  }
0x6: {  	_ = 	snop  }
0x7: {  	_ = 	snop  }
__scs_overlays_trampoline_lowered:
0x8: {  	[smem:$0x3FAA] =	sst s0  }
0x9: {  	[smem:$0x3FAB] =	sst s1  }
0xa: {  	[smem:$0x3FAC] =	sst s2  }
0xb: {  	[smem:$0x3FAD] =	sst s3  }
0xc: {  	[smem:$0x3FAE] =	sst s4  }
0xd: {  	[smem:$0x3FAF] =	sst s5  }
0xe: {  	[smem:$0x3FB0] =	sst s6  }
0xf: {  	[smem:$0x3FB1] =	sst s7  }
0x10: {  	[smem:$0x3FB2] =	sst s8  }
0x11: {  	[smem:$0x3FB3] =	sst s9;
	s0 =	simm.s32 @!p0 $0x0  }
0x12: {  	s1 =	sld [smem:$0x3F99];
	s0 =	simm.s32 @p0 $0x1  }
0x13: {  	[smem:$0x3FB4] =	sst s0;
	s0 =	simm.s32 @!p1 $0x0  }
0x14: {  	s2 =	sld [smem:$0x3F98];
	s0 =	simm.s32 @p1 $0x1  }
0x15: {  	[smem:$0x3FB5] =	sst s0;
	s0 =	simm.s32 @!p2 $0x0  }
0x16: {  	s3 =	sld [smem:$0x3FDB];
	s0 =	simm.s32 @p2 $0x1  }
0x17: {  	s4 =	simm.s32 $0x1BF5;
	[smem:$0x3FB7] =	sst s0  }
0x18: {  	s0 =	sld [smem:$0x3F9A];
	_ =	swait.ge [sflag:s4], $0x0  }
0x19: {  	s7 =	sld [smem:$0x3F9B]  }
0x1a: {  	s8 =	sadd.s32 $0xFFFFE003, lr  }
0x1b: {  	s9 =	sadd.s32 $0xFFFFFEF7, lr;
	s5 =	simm.s32 $0xFFFFFFFF;
	p2 =	slt.u32 s8, $0xFFFFF086  }
0x1c: {  	p1 =	slt.u32 s9, $0xF7A;
	s5 =	simm.s32 @!p2 $0x0  }
0x1d: {  	s5 =	simm.s32 @p1 $0x1;
	p0 =	seq.s32 s7, s2  }
0x1e: {  	s7 =	smul.u32 @!p0 $0xF7A, s2;
	p2 =	seq.s32 @!p0 s5, $0x0  }
0x1f: {  	s9 =	smul.u32 $0xF7A, s1;
	s8 =	simm.s32 @!p0 $0x1BF5;
	p2 =	por !p2, p0  }
0x20: {  	[sflag:s8] =	ssyncset.s32 @!p0 $0xFFFFF086;
	s6 =	sadd.s32 @!p0 s3, s7;
	s7 =	simm.s32 @!p0 $0x108  }
0x21: {  	s3 =	sadd.s32 s3, s9;
	s6 =	sadd.s32 @!p0 $0x88, s6;
	s7 =	simm.s32 @p2 $0x1082  }
0x22: {  	[simem:s7], [sflag:s8] =	dma.local @!p0 [hbm:s6], $0xF7A  }
0x23: {  	s9 =	sor.u32 $0xD0000000, s2;
	s6 =	simm.s32 $0x108;
	_ =	swait.ge @!p0 [sflag:s8], $0x0  }
0x24: {  	s3 =	sadd.s32 $0x88, s3;
	s6 =	simm.s32 @!p1 $0x1082;
	[sflag:s4] =	ssyncset.s32 $0xFFFFF086  }
0x25: {  	[simem:s6], [sflag:s4] =	dma.local [hbm:s3], $0xF7A  }
0x26: {  	[smem:$0x3F9B] =	sst s1;
	(tag) =	ssettag s2;
	_ =	strace s9  }
0x27: {  	s1 =	sld [smem:$0x3FAB]  }
0x28: {  	s2 =	sld [smem:$0x3FAC]  }
0x29: {  	s4 =	sld [smem:$0x3FAE]  }
0x2a: {  	p0 =	seq.s32 s5, $0x0;
	s5 =	sld [smem:$0x3FAF]  }
0x2b: {  	s6 =	sld [smem:$0x3FB0]  }
0x2c: {  	s7 =	sld [smem:$0x3FB1]  }
0x2d: {  	s3 =	simm.s32 $0x108;
	s8 =	sld [smem:$0x3FB2]  }
0x2e: {  	s3 =	simm.s32 @!p0 $0x1082;
	s9 =	sld [smem:$0x3FB3]  }
0x2f: {  	lr =	sadd.s32 s0, s3;
	s0 =	sld [smem:$0x3FAA]  }
0x30: {  	s3 =	sld [smem:$0x3FAD]  }
0x31: {  	[smem:$0x3FB6] =	sst s10  }
0x32: {  	s10 =	sld [smem:$0x3FB4];
	_ =	sdelay $0x3  }
0x33: {  	p0 =	seq.s32 s10, $0x1;
	s10 =	sld [smem:$0x3FB6];
	_ =	sdelay $0x3  }
0x34: {  	[smem:$0x3FB6] =	sst s10  }
0x35: {  	s10 =	sld [smem:$0x3FB5];
	_ =	sdelay $0x3  }
0x36: {  	p1 =	seq.s32 s10, $0x1;
	s10 =	sld [smem:$0x3FB6];
	_ =	sdelay $0x3  }
0x37: {  	[smem:$0x3FB6] =	sst s10  }
0x38: {  	s10 =	sld [smem:$0x3FB7]  }
0x39: {  	_ = 	snop;
	(pc) =	sbr.ind lr, $3  }
0x3a: {  	_ = 	snop  }
0x3b: {  	_ = 	snop  }
0x3c: {  	p2 =	seq.s32 s10, $0x1;
	s10 =	sld [smem:$0x3FB6]  }
0x3d: {  	_ =	shalt  }
0x3e: {  	_ =	shalt  }
0x3f: {  	_ =	shalt  }
0x40: {  	_ =	shalt  }
0x41: {  	_ =	shalt  }
0x42: {  	_ =	shalt  }
0x43: {  	_ =	shalt  }
0x44: {  	_ =	shalt  }
0x45: {  	_ =	shalt  }
0x46: {  	_ =	shalt  }
0x47: {  	_ =	shalt  }
0x48: {  	_ =	shalt  }
0x49: {  	_ =	shalt  }
0x4a: {  	_ =	shalt  }
0x4b: {  	_ =	shalt  }
0x4c: {  	_ =	shalt  }
0x4d: {  	_ =	shalt  }
0x4e: {  	_ =	shalt  }
0x4f: {  	_ =	shalt  }
0x50: {  	_ =	shalt  }
0x51: {  	_ =	shalt  }
0x52: {  	_ =	shalt  }
0x53: {  	_ =	shalt  }
0x54: {  	_ =	shalt  }
0x55: {  	_ =	shalt  }
0x56: {  	_ =	shalt  }
0x57: {  	_ =	shalt  }
0x58: {  	_ =	shalt  }
0x59: {  	_ =	shalt  }
0x5a: {  	_ =	shalt  }
0x5b: {  	_ =	shalt  }
0x5c: {  	_ =	shalt  }
0x5d: {  	_ =	shalt  }
0x5e: {  	_ =	shalt  }
0x5f: {  	_ =	shalt  }
0x60: {  	_ =	shalt  }
0x61: {  	_ =	shalt  }
0x62: {  	_ =	shalt  }
0x63: {  	_ =	shalt  }
0x64: {  	_ =	shalt  }
0x65: {  	_ =	shalt  }
0x66: {  	_ =	shalt  }
0x67: {  	_ =	shalt  }
0x68: {  	_ =	shalt  }
0x69: {  	_ =	shalt  }
0x6a: {  	_ =	shalt  }
0x6b: {  	_ =	shalt  }
0x6c: {  	_ =	shalt  }
0x6d: {  	_ =	shalt  }
0x6e: {  	_ =	shalt  }
0x6f: {  	_ =	shalt  }
0x70: {  	_ =	shalt  }
0x71: {  	_ =	shalt  }
0x72: {  	_ =	shalt  }
0x73: {  	_ =	shalt  }
0x74: {  	_ =	shalt  }
0x75: {  	_ =	shalt  }
0x76: {  	_ =	shalt  }
0x77: {  	_ =	shalt  }
0x78: {  	_ =	shalt  }
0x79: {  	_ =	shalt  }
0x7a: {  	_ =	shalt  }
0x7b: {  	_ =	shalt  }
0x7c: {  	_ =	shalt  }
0x7d: {  	_ =	shalt  }
0x7e: {  	_ =	shalt  }
0x7f: {  	_ =	shalt  }
0x80: {  	_ =	shalt  }
0x81: {  	_ =	shalt  }
0x82: {  	_ =	shalt  }
0x83: {  	_ =	shalt  }
0x84: {  	_ =	shalt  }
0x85: {  	_ =	shalt  }
0x86: {  	_ =	shalt  }
0x87: {  	_ =	shalt  }
.Lfunc_end0:
.L_simem_size_0:
called_computation.2_lowered:
.L_overlay_start_0:
0x88: {  	s2 =	sld [smem:$0x3FD9]  }
0x89: {  	s3 =	sld [smem:$0x3FFE];
	_ =	sdelay $0x1  }
0x8a: {  	s1 =	srdreg.scid  }
0x8b: {  	s0 =	sand.u32 $0x1, s1  }
0x8c: {  	s17 =	sshll.u32 s0, $0xA;
	s2 =	sadd.s32 s3, s2  }
0x8d: {  	s2 =	sadd.s32 s2, s17  }
0x8e: {  	[smem:$0x3FC2] =	sst s2  }
0x8f: {  	_ = 	snop  }
0x90: {  	s2 =	sld [smem:$0x3FD0];
	(tm) =	ssettm $0x1  }
0x91: {  	s18 =	sld [smem:$0x3FFB];
	_ =	sdelay $0x3  }
0x92: {  	_ =	strace s18  }
0x93: {  	s3 =	sld [smem:$0x3FFC];
	_ =	sdelay $0x3  }
0x94: {  	_ =	strace s3  }
0x95: {  	s3 =	sld [smem:$0x3FFD];
	_ =	sdelay $0x3  }
0x96: {  	_ =	strace s3  }
0x97: {  	_ =	strace $0x8FFFFFFF  }
0x98: {  	s19 =	sld [smem:$0x3FDB];
	_ =	sdelay $0x1  }
0x99: {  	s4 =	simm.s32 $_scs_section_size  }
0x9a: {  	s5 =	simm.s32 $_size__tile_overlayer_lowered;
	s6 =	simm.s32 $_tile_overlayer_lowered  }
0x9b: {  	s22 =	simm.s32 $0x1BFF;
	s21 =	sshll.u32 s6, $0x1;
	s3 =	sadd.s32 s4, s19  }
0x9c: {  	s7 =	simm.s32 $0x0;
	s20 =	sshll.u32 s5, $0x1;
	s5 =	sadd.s32 s21, s3  }
0x9d: {  	[timem:s7], [sflag:s22] =	dma.local [hbm:s5], s20  }
0x9e: {  	_ =	swait.ge [sflag:s22], s20  }
0x9f: {  	s4 =	ssub.s32 $0x0, s20;
	[sflag:s22] =	ssyncset.done $0x0  }
0xa0: {  	[sflag:s22] =	ssyncadd.s32 s4;
	_ =	sdelay $0x1  }
0xa1: {  	s23 =	simm.s32 $0x1B8B  }
0xa2: {  	_ =	swait.ge [sflag:s23], $0x1  }
0xa3: {  	[sflag:s23] =	ssyncset.done $0x0  }
0xa4: {  	s25 =	simm.s32 $0x1B8E;
	s24 =	sld [smem:$0x3FFE];
	[sflag:s23] =	ssyncadd.s32 $0xFFFFFFFF  }
0xa5: {  	s26 =	simm.s32 $execute0_lowered;
	[smem:$0x3FD2] =	sst s25  }
0xa6: {  	s5 =	sshll.u32 s26, $0x1;
	_ =	strace $0x8000004C;
	[dreg:$0x1] =	wrdreg $0xFFFFFFFF  }
0xa7: {  	s28 =	simm.s32 $_size_execute0_lowered;
	s3 =	sadd.s32 s3, s5;
	[dreg:$0x0] =	wrdreg $0x0  }
0xa8: {  	s5 =	sshll.u32 s28, $0x1;
	[dreg:$0x2] =	wrdreg s3  }
0xa9: {  	[dreg:$0x3] =	wrdreg s5  }
0xaa: {  	[dreg:$0x4] =	wrdreg $0xC0  }
0xab: {  	_ =	task [dreg:s7], $0x5FFFF  }
0xac: {  	[dreg:$0x1] =	wrdreg $0xFFFFFFFF  }
0xad: {  	[dreg:$0x0] =	wrdreg $0x60  }
0xae: {  	[dreg:$0x2] =	wrdreg s2  }
0xaf: {  	[dreg:$0x3] =	wrdreg s24  }
0xb0: {  	[dreg:$0x4] =	wrdreg $0x52000  }
0xb1: {  	[dreg:$0x5] =	wrdreg $0x9  }
0xb2: {  	_ =	task.clear_ibuf [dreg:s7], $0x6FFFF;
	_ =	strace $0x9000004C  }
0xb3: {  	s29 =	simm.s32 $0x9;
	_ =	strace $0x8000004E  }
0xb4: {  	_ =	swait.ge [sflag:s29], $0x1  }
0xb5: {  	[sflag:s29] =	ssyncadd.s32 $0xFFFFFFFF  }
0xb6: {  	_ =	strace $0x9000004E  }
0xb7: {  	_ =	sfence  }
0xb8: {  	s30 =	sld [smem:$0x0];
	_ =	sdelay $0x2  }
0xb9: {  	s31 =	sshll.u32 s1, $0xD;
	s1 =	sshrl.u32 s1, $0x2  }
0xba: {  	s3 =	sand.u32 $0x4000, s31;
	s1 =	sadd.s32 s1, s30  }
0xbb: {  	s0 =	sor.u32 s3, s0;
	s1 =	sshll.u32 s1, $0x11  }
0xbc: {  	s0 =	sor.u32 s1, s0  }
0xbd: {  	s0 =	sadd.s32 $0x8F2B, s0  }
0xbe: {  	[sflag:s0] =	ssyncadd.remote.s32 $0x1  }
0xbf: {  	_ =	sfence.sel $0xFFFF  }
0xc0: {  	[dreg:$0x0] =	wrdreg $0xFFFFFFFF;
	(pc) =	sbr.abs _section_cstart, $3  }
0xc1: {  	[dreg:$0x1] =	wrdreg $0xFFFFFFFF  }
0xc2: {  	_ =	task.clear_ibuf [dreg:s7], $0x2FFFF;
	_ =	strace $0x9FFFFFFF  }
0xc3: {  	(tm) =	ssettm $0x7FFFFFFF  }
tec
execute0_lowered:
.L_overlay_start_1:
0x0: {  	(tag) =	ssettag $0x1  }
0x1: {  	s1 =	rddreg [dreg:$0x0]  }
0x2: {  	s6 =	rddreg [dreg:$0x1]  }
0x3: {  	s2 =	rddreg [dreg:$0x2]  }
0x4: {  	s0 =	rddreg [dreg:$0x3];
	s4 =	simm.s32 $0x0;
	s3 =	srdreg.scid  }
0x5: {  	s17 =	simm.s32 $0x50;
	s18 =	simm.s32 $0x200;
	s7 =	sand.u32 $0x1, s3  }
0x6: {  	s19 =	simm.s32 $0x0;
	s3 =	stileid.u32;
	s8 =	smul.u32 $0x140000, s7  }
0x7: {  	[smem:$0x7FF] =	sst s4;
	s13 =	sadd.s32 $0x54E00, s6;
	s9 =	smul.u32 $0x14000, s3  }
0x8: {  	s12 =	sadd.s32 $0x5EC00, s6;
	s5 =	sadd.s32 $0x2600, s6;
	s10 =	smul.u32 $0x64, s3  }
0x9: {  	_ =	strace $0x8000004D;
	s24 =	ssub.s32 $0x2, s7;
	s14 =	smul.u32 $0x98, s3  }
0xa: {  	s15 =	smul.u32 $0x50000, s3;
	p0 =	seq.s32 s7, $0x0;
	s7 =	simm.s32 $0x98  }
0xb: {  	s26 =	sshll.u32 s3, $0x6;
	s11 =	sshrl.u32 s24, $0x1;
	s7 =	simm.s32 @!p0 $0x64  }
0xc: {  	s8 =	sadd.s32 s9, s8;
	s10 =	sadd.s32 $0x980, s10;
	s11 =	ssub.s32 s24, s11  }
0xd: {  	s25 =	sshrl.u32 s15, $0x2;
	s15 =	simm.s32 $0x3;
	s10 =	smov.u32 @p0 s14  }
0xe: {  	s8 =	sshrl.u32 s8, $0x3;
	s29 =	sadd.s32 s25, s2;
	s28 =	smul.u32 $0x50, s10  }
0xf: {  	s11 =	smax.u32 s11, $0x1;
	s16 =	sadd.s32 s8, s6;
	s6 =	sor.u32 $0x1C03, s26  }
0x10: {  	s31 =	smul.u32 $0xA, s10;
	s14 =	sshrl.u32 s29, $0x3;
	s30 =	sshrl.u32 s28, $0x3  }
0x11: {  	s10 =	sadd.s32 $0x4E00, s16;
	s16 =	simm.s32 $0x80;
	s8 =	sadd.s32 s13, s30  }
0x12: {  	s9 =	sadd.s32 s12, s30;
	s12 =	sadd.s32 s31, s12;
	s13 =	sadd.s32 s31, s13  }
.LBB2_1:
0x13: {  	[spmem:s14], [sflag:s6] =	dma.local [hbm:s5], $0x2800  }
0x14: {  	_ =	swait.ge [sflag:s15], $0x2800  }
0x15: {  	[sflag:s15] =	ssyncset.done $0x0  }
0x16: {  	[sflag:s15] =	ssyncadd.s32 $0xFFFFD800  }
0x17: {  	[bflag:$0x0] =	sbarrier.arrive $0xFFFF  }
0x18: {  	[tilespmem:s4], [sflag:$0x3] =	stream.linear.gather [hbm4b:s8+s4], $0x50, $0x38;
	[tilespmem:$0x19200] =	vst v63  }
0x19: {  	_ =	swait.ge [sflag:s15], $0x50  }
0x1a: {  	[sflag:s15] =	ssyncset.done $0x0  }
0x1b: {  	[sflag:s15] =	ssyncadd.s32 $0xFFFFFFB0  }
0x1c: {  	[tilespmem:s16], [sflag:$0x3] =	stream.linear.gather [hbm4b:s9+s4], $0x50, $0x38;
	[tilespmem:$0x19200] =	vst v63  }
0x1d: {  	_ =	swait.ge [sflag:s15], $0x50  }
0x1e: {  	p0 =	sle.u32 s7, $0x0;
	[sflag:s15] =	ssyncset.done $0x0  }
0x1f: {  	s20 =	sadd.s32 @!p0 $0x0, s13;
	s21 =	simm.s32 @!p0 $0x4;
	[sflag:s15] =	ssyncadd.s32 $0xFFFFFFB0  }
0x20: {  	[tilespmem:s18], [sflag:$0x1] =	stream.indirect.gather [hbm4b:s1+s17], $0x80, s4, s17, $0xb8;
	[tilespmem:$0x19200] =	vst v63  }
0x21: {  	s22 =	simm.s32 @!p0 $0x0;
	s23 =	simm.s32 @!p0 $0x100;
	s20 =	sadd.s32 @!p0 $0xA, s20  }
0x22: {  	[tilespmem:s23], [sflag:$0x4] =	stream.linear.gather @!p0 [hbm4b:s20+s22], $0x50, $0x38;
	[tilespmem:$0x19200] =	vst v63  }
0x23: {  	_ =	swait.ge @!p0 [sflag:s21], $0x50  }
0x24: {  	s20 =	sadd.s32 @!p0 $0x0, s12;
	[sflag:s21] =	ssyncset.done @!p0 $0x0  }
0x25: {  	s25 =	simm.s32 @!p0 $0x180;
	s20 =	sadd.s32 @!p0 $0xA, s20;
	[sflag:s21] =	ssyncadd.s32 @!p0 $0xFFFFFFB0  }
0x26: {  	[tilespmem:s25], [sflag:$0x4] =	stream.linear.gather @!p0 [hbm4b:s20+s22], $0x50, $0x38;
	[tilespmem:$0x19200] =	vst v63  }
0x27: {  	_ =	swait.ge @!p0 [sflag:s21], $0x50;
	p0 =	por p0, p0  }
0x28: {  	[sflag:s21] =	ssyncset.done @!p0 $0x0;
	s20 =	simm.s32 @!p0 $0x1  }
0x29: {  	s22 =	simm.s32 @!p0 $0x50;
	s26 =	simm.s32 @!p0 $0x2A00;
	[sflag:s21] =	ssyncadd.s32 @!p0 $0xFFFFFFB0  }
0x2a: {  	[tilespmem:s26], [sflag:$0x2] =	stream.indirect.gather @!p0 [hbm4b:s1+s22], $0x80, s23, s22, $0xb8;
	[tilespmem:$0x19200] =	vst v63  }
0x2b: {  	_ =	swait.ge @!p0 [sflag:s20], $0x2800  }
0x2c: {  	p1 =	sle.u32 @!p0 s7, $0x2;
	[sflag:s20] =	ssyncset.done @!p0 $0x0  }
0x2d: {  	s23 =	simm.s32 @!p0 $0x200;
	[sflag:s20] =	ssyncadd.s32 @!p0 $0xFFFFD800;
	s20 =	simm.s32 @!p0 $0x80  }
0x2e: {  	[spmem:s2] =	stream.indirect.scatter.add.f32 @!p0 [tilespmem:s23], [sflag:$0x4], $0x80, s20, s22, $0xb8;
	[tilespmem:$0x19200] =	vst v63  }
0x2f: {  	p1 =	por p1, p0;
	_ =	swait.ge @!p0 [sflag:s21], $0x2800  }
0x30: {  	s20 =	sadd.s32 @!p1 $0x0, s13;
	s23 =	simm.s32 @!p1 $0x4;
	[sflag:s21] =	ssyncset.done @!p0 $0x0  }
0x31: {  	s20 =	sadd.s32 @!p1 $0x14, s20;
	[sflag:s21] =	ssyncadd.s32 @!p0 $0xFFFFD800;
	s21 =	simm.s32 @!p1 $0x0  }
0x32: {  	[tilespmem:s21], [sflag:$0x4] =	stream.linear.gather @!p1 [hbm4b:s20+s21], $0x50, $0x38;
	[tilespmem:$0x19200] =	vst v63  }
0x33: {  	_ =	swait.ge @!p1 [sflag:s23], $0x50  }
0x34: {  	s20 =	sadd.s32 @!p1 $0x0, s12;
	[sflag:s23] =	ssyncset.done @!p1 $0x0  }
0x35: {  	s24 =	simm.s32 @!p1 $0x80;
	s20 =	sadd.s32 @!p1 $0x14, s20;
	[sflag:s23] =	ssyncadd.s32 @!p1 $0xFFFFFFB0  }
0x36: {  	[tilespmem:s24], [sflag:$0x4] =	stream.linear.gather @!p1 [hbm4b:s20+s21], $0x50, $0x38;
	[tilespmem:$0x19200] =	vst v63  }
0x37: {  	_ =	swait.ge @!p1 [sflag:s23], $0x50  }
0x38: {  	s20 =	simm.s32 @!p0 $0x2;
	[sflag:s23] =	ssyncset.done @!p1 $0x0  }
0x39: {  	s24 =	simm.s32 @!p1 $0x200;
	[sflag:s23] =	ssyncadd.s32 @!p1 $0xFFFFFFB0;
	s23 =	simm.s32 @!p1 $0x50  }
0x3a: {  	[tilespmem:s24], [sflag:$0x1] =	stream.indirect.gather @!p1 [hbm4b:s1+s23], $0x80, s21, s23, $0xb8;
	[tilespmem:$0x19200] =	vst v63  }
0x3b: {  	_ =	swait.ge @!p0 [sflag:s20], $0x2800  }
0x3c: {  	[sflag:s20] =	ssyncset.done @!p0 $0x0  }
0x3d: {  	s24 =	simm.s32 @!p0 $0x3;
	[sflag:s20] =	ssyncadd.s32 @!p0 $0xFFFFD800  }
0x3e: {  	[spmem:s2] =	stream.indirect.scatter.add.f32 @!p0 [tilespmem:s26], [sflag:$0x3], $0x80, s25, s22, $0xb8;
	[tilespmem:$0x19200] =	vst v63  }
0x3f: {  	p2 =	sle.u32 s7, $0x2;
	s21 =	simm.s32 $0x4;
	_ =	swait.ge @!p0 [sflag:s24], $0x2800  }
0x40: {  	s20 =	simm.s32 $0x14;
	s22 =	simm.s32 $0x28;
	[sflag:s24] =	ssyncset.done @!p0 $0x0  }
.LBB2_2:
0x41: {  	s23 =	sadd.s32 @!p2 s20, s13;
	s25 =	simm.s32 @!p2 $0x4;
	[sflag:s24] =	ssyncadd.s32 @!p0 $0xFFFFD800  }
0x42: {  	s24 =	simm.s32 @!p2 $0x0;
	s26 =	simm.s32 @!p2 $0x100;
	s23 =	sadd.s32 @!p2 $0xA, s23  }
0x43: {  	[tilespmem:s26], [sflag:$0x4] =	stream.linear.gather @!p2 [hbm4b:s23+s24], $0x50, $0x38;
	[tilespmem:$0x19200] =	vst v63  }
0x44: {  	s28 =	smov.u32 s22;
	s22 =	sadd.s32 $0x14, s22;
	_ =	swait.ge @!p2 [sflag:s25], $0x50  }
0x45: {  	p1 =	sne.s32 s22, $0x5F0;
	s23 =	sadd.s32 @!p2 s20, s12;
	[sflag:s25] =	ssyncset.done @!p2 $0x0  }
0x46: {  	s29 =	sadd.s32 @!p2 $0xA, s23;
	s23 =	simm.s32 @!p2 $0x180;
	[sflag:s25] =	ssyncadd.s32 @!p2 $0xFFFFFFB0  }
0x47: {  	[tilespmem:s23], [sflag:$0x4] =	stream.linear.gather @!p2 [hbm4b:s29+s24], $0x50, $0x38;
	[tilespmem:$0x19200] =	vst v63  }
0x48: {  	p0 =	por p2, p2;
	_ =	swait.ge @!p2 [sflag:s25], $0x50  }
0x49: {  	s24 =	simm.s32 @!p0 $0x1;
	[sflag:s25] =	ssyncset.done @!p0 $0x0  }
0x4a: {  	s30 =	simm.s32 @!p0 $0x2A00;
	s29 =	simm.s32 @!p0 $0x50;
	[sflag:s25] =	ssyncadd.s32 @!p0 $0xFFFFFFB0  }
0x4b: {  	[tilespmem:s30], [sflag:$0x2] =	stream.indirect.gather @!p0 [hbm4b:s1+s29], $0x80, s26, s29, $0xb8;
	[tilespmem:$0x19200] =	vst v63  }
0x4c: {  	_ =	swait.ge @!p0 [sflag:s24], $0x2800  }
0x4d: {  	p2 =	sge.u32 @!p0 s21, s7;
	[sflag:s24] =	ssyncset.done @!p0 $0x0  }
0x4e: {  	s26 =	simm.s32 @!p0 $0x200;
	[sflag:s24] =	ssyncadd.s32 @!p0 $0xFFFFD800;
	s24 =	simm.s32 @!p0 $0x80  }
0x4f: {  	[spmem:s2] =	stream.indirect.scatter.add.f32 @!p0 [tilespmem:s26], [sflag:$0x4], $0x80, s24, s29, $0xb8;
	[tilespmem:$0x19200] =	vst v63  }
0x50: {  	p2 =	por p2, p0;
	_ =	swait.ge @!p0 [sflag:s25], $0x2800  }
0x51: {  	s24 =	sadd.s32 @!p2 s20, s13;
	s26 =	simm.s32 @!p2 $0x4;
	[sflag:s25] =	ssyncset.done @!p0 $0x0  }
0x52: {  	s24 =	sadd.s32 @!p2 $0x14, s24;
	[sflag:s25] =	ssyncadd.s32 @!p0 $0xFFFFD800;
	s25 =	simm.s32 @!p2 $0x0  }
0x53: {  	[tilespmem:s25], [sflag:$0x4] =	stream.linear.gather @!p2 [hbm4b:s24+s25], $0x50, $0x38;
	[tilespmem:$0x19200] =	vst v63  }
0x54: {  	s24 =	sadd.s32 @!p2 s20, s12;
	s20 =	smov.u32 s28;
	_ =	swait.ge @!p2 [sflag:s26], $0x50  }
0x55: {  	s24 =	sadd.s32 @!p2 $0x14, s24;
	[sflag:s26] =	ssyncset.done @!p2 $0x0  }
0x56: {  	s28 =	simm.s32 @!p2 $0x80;
	[sflag:s26] =	ssyncadd.s32 @!p2 $0xFFFFFFB0  }
0x57: {  	[tilespmem:s28], [sflag:$0x4] =	stream.linear.gather @!p2 [hbm4b:s24+s25], $0x50, $0x38;
	[tilespmem:$0x19200] =	vst v63  }
0x58: {  	_ =	swait.ge @!p2 [sflag:s26], $0x50  }
0x59: {  	s24 =	simm.s32 @!p0 $0x2;
	[sflag:s26] =	ssyncset.done @!p2 $0x0  }
0x5a: {  	s28 =	simm.s32 @!p2 $0x200;
	[sflag:s26] =	ssyncadd.s32 @!p2 $0xFFFFFFB0;
	s26 =	simm.s32 @!p2 $0x50  }
0x5b: {  	[tilespmem:s28], [sflag:$0x1] =	stream.indirect.gather @!p2 [hbm4b:s1+s26], $0x80, s25, s26, $0xb8;
	[tilespmem:$0x19200] =	vst v63  }
0x5c: {  	_ =	swait.ge @!p0 [sflag:s24], $0x2800  }
.Ltmp0:
0x5d: {  	[sflag:s24] =	ssyncset.done @!p0 $0x0;
	(pc) =	sbr.rel @p1 .LBB2_2-.Ltmp0, $4  }
0x5e: {  	s21 =	sadd.s32 $0x2, s21;
	[sflag:s24] =	ssyncadd.s32 @!p0 $0xFFFFD800;
	s24 =	simm.s32 @!p0 $0x3  }
0x5f: {  	[spmem:s2] =	stream.indirect.scatter.add.f32 @!p0 [tilespmem:s30], [sflag:$0x3], $0x80, s23, s29, $0xb8;
	[tilespmem:$0x19200] =	vst v63  }
0x60: {  	s23 =	sadd.s32 $0xFFFFFFFE, s21;
	_ =	swait.ge @!p0 [sflag:s24], $0x2800  }
0x61: {  	p2 =	sge.u32 s23, s7;
	[sflag:s24] =	ssyncset.done @!p0 $0x0  }
0x62: {  	s22 =	sadd.s32 @!p2 s20, s13;
	s23 =	simm.s32 @!p2 $0x4;
	[sflag:s24] =	ssyncadd.s32 @!p0 $0xFFFFD800  }
0x63: {  	s24 =	simm.s32 @!p2 $0x0;
	s25 =	simm.s32 @!p2 $0x100;
	s22 =	sadd.s32 @!p2 $0xA, s22  }
0x64: {  	[tilespmem:s25], [sflag:$0x4] =	stream.linear.gather @!p2 [hbm4b:s22+s24], $0x50, $0x38;
	[tilespmem:$0x19200] =	vst v63  }
0x65: {  	_ =	swait.ge @!p2 [sflag:s23], $0x50  }
0x66: {  	s22 =	sadd.s32 @!p2 s20, s12;
	[sflag:s23] =	ssyncset.done @!p2 $0x0  }
0x67: {  	s26 =	simm.s32 @!p2 $0x180;
	s22 =	sadd.s32 @!p2 $0xA, s22;
	[sflag:s23] =	ssyncadd.s32 @!p2 $0xFFFFFFB0  }
0x68: {  	[tilespmem:s26], [sflag:$0x4] =	stream.linear.gather @!p2 [hbm4b:s22+s24], $0x50, $0x38;
	[tilespmem:$0x19200] =	vst v63  }
0x69: {  	p0 =	por p2, p2;
	_ =	swait.ge @!p2 [sflag:s23], $0x50  }
0x6a: {  	s28 =	simm.s32 @!p0 $0x2A00;
	[sflag:s23] =	ssyncset.done @!p0 $0x0  }
0x6b: {  	s22 =	simm.s32 @!p0 $0x1;
	s24 =	simm.s32 @!p0 $0x50;
	[sflag:s23] =	ssyncadd.s32 @!p0 $0xFFFFFFB0  }
0x6c: {  	[tilespmem:s28], [sflag:$0x2] =	stream.indirect.gather @!p0 [hbm4b:s1+s24], $0x80, s25, s24, $0xb8;
	[tilespmem:$0x19200] =	vst v63  }
0x6d: {  	_ =	swait.ge @!p0 [sflag:s22], $0x2800  }
0x6e: {  	p1 =	sge.u32 @!p0 s21, s7;
	[sflag:s22] =	ssyncset.done @!p0 $0x0  }
0x6f: {  	s21 =	simm.s32 @!p0 $0x80;
	[sflag:s22] =	ssyncadd.s32 @!p0 $0xFFFFD800;
	s22 =	simm.s32 @!p0 $0x200  }
0x70: {  	[spmem:s2] =	stream.indirect.scatter.add.f32 @!p0 [tilespmem:s22], [sflag:$0x4], $0x80, s21, s24, $0xb8;
	[tilespmem:$0x19200] =	vst v63  }
0x71: {  	p1 =	por p1, p0;
	_ =	swait.ge @!p0 [sflag:s23], $0x2800  }
0x72: {  	s21 =	sadd.s32 @!p1 s20, s13;
	s22 =	simm.s32 @!p1 $0x4;
	[sflag:s23] =	ssyncset.done @!p0 $0x0  }
0x73: {  	s21 =	sadd.s32 @!p1 $0x14, s21;
	[sflag:s23] =	ssyncadd.s32 @!p0 $0xFFFFD800;
	s23 =	simm.s32 @!p1 $0x0  }
0x74: {  	[tilespmem:s23], [sflag:$0x4] =	stream.linear.gather @!p1 [hbm4b:s21+s23], $0x50, $0x38;
	[tilespmem:$0x19200] =	vst v63  }
0x75: {  	_ =	swait.ge @!p1 [sflag:s22], $0x50  }
0x76: {  	s20 =	sadd.s32 @!p1 s20, s12;
	[sflag:s22] =	ssyncset.done @!p1 $0x0  }
0x77: {  	s20 =	sadd.s32 @!p1 $0x14, s20;
	s21 =	simm.s32 @!p1 $0x80;
	[sflag:s22] =	ssyncadd.s32 @!p1 $0xFFFFFFB0  }
0x78: {  	[tilespmem:s21], [sflag:$0x4] =	stream.linear.gather @!p1 [hbm4b:s20+s23], $0x50, $0x38;
	[tilespmem:$0x19200] =	vst v63  }
0x79: {  	_ =	swait.ge @!p1 [sflag:s22], $0x50  }
0x7a: {  	s20 =	simm.s32 @!p0 $0x2;
	[sflag:s22] =	ssyncset.done @!p1 $0x0  }
0x7b: {  	s21 =	simm.s32 @!p1 $0x50;
	[sflag:s22] =	ssyncadd.s32 @!p1 $0xFFFFFFB0;
	s22 =	simm.s32 @!p1 $0x200  }
0x7c: {  	[tilespmem:s22], [sflag:$0x1] =	stream.indirect.gather @!p1 [hbm4b:s1+s21], $0x80, s23, s21, $0xb8;
	[tilespmem:$0x19200] =	vst v63  }
0x7d: {  	_ =	swait.ge @!p0 [sflag:s20], $0x2800  }
0x7e: {  	[sflag:s20] =	ssyncset.done @!p0 $0x0  }
0x7f: {  	[sflag:s20] =	ssyncadd.s32 @!p0 $0xFFFFD800;
	s20 =	simm.s32 @!p0 $0x3  }
0x80: {  	[spmem:s2] =	stream.indirect.scatter.add.f32 @!p0 [tilespmem:s28], [sflag:$0x3], $0x80, s26, s24, $0xb8;
	[tilespmem:$0x19200] =	vst v63  }
0x81: {  	_ =	swait.ge @!p0 [sflag:s20], $0x2800  }
0x82: {  	s19 =	sadd.s32 $0x1, s19;
	[sflag:s20] =	ssyncset.done @!p0 $0x0  }
0x83: {  	[sflag:s20] =	ssyncadd.s32 @!p0 $0xFFFFD800;
	p0 =	sne.s32 s19, s11  }
.Ltmp1:
0x84: {  	[bflag:$0x0] =	sbarrier.arrive $0xFFFF;
	(pc) =	sbr.rel @p0 .LBB2_1-.Ltmp1, $4  }
0x85: {  	[hbm:s10], [sflag:s6] =	dma.local [spmem:s14], $0x2800  }
0x86: {  	_ =	swait.ge [sflag:s15], $0x2800  }
0x87: {  	[sflag:s15] =	ssyncset.done $0x0  }
0x88: {  	[sflag:s15] =	ssyncadd.s32 $0xFFFFD800  }
0x89: {  	_ =	sfence.sel $0x180000  }
0x8a: {  	[bflag:$0x0] =	sbarrier.arrive $0xFFFF  }
0x8b: {  	p0 =	sne.s32 s3, $0x0;
	_ =	strace $0x9000004D  }
0x8c: {  	s0 =	sadd.s32 @!p0 $0x100000, s0;
	[bflag:$0x2] =	sbarrier.arrive $0xFFFF  }
0x8d: {  	[sflag:s0] =	ssyncadd.tile.s32 @!p0 $0x1;
	_ =	shalt  }
.Lfunc_end2:
_tile_overlayer_lowered:
.L_overlay_start_2:
0x8e: {  	(tag) =	ssettag $0x2  }
0x8f: {  	s0 =	rddreg [dreg:$0x0];
	s2 =	stileid.u32  }
0x90: {  	s1 =	rddreg [dreg:$0x1];
	p0 =	sne.s32 s2, $0x0  }
0x91: {  	s3 =	rddreg [dreg:$0x2];
	[bflag:$0x3] =	sbarrier.arrive $0xFFFF;
	s2 =	simm.s32 @!p0 $0x1C03  }
0x92: {  	[timem:s3], [sflag:s2] =	dma.local @!p0 [hbm:s0], s1  }
0x93: {  	s0 =	simm.s32 @!p0 $0x3  }
0x94: {  	_ =	swait.ge @!p0 [sflag:s0], s1  }
0x95: {  	s1 =	ssub.s32 @!p0 $0x0, s1;
	[sflag:s0] =	ssyncset.done @!p0 $0x0  }
0x96: {  	[sflag:s0] =	ssyncadd.s32 @!p0 s1  }
0x97: {  	[bflag:$0x3] =	sbarrier.arrive $0xFFFF  }
0x98: {  	_ =	shalt  }

// kernel: kernel.9.cloned.1.call-start
scs
__scs_entry_jumppad:
0x0: {  	(pc) =	sbr.rel $0x88, $3  }
0x1: {  	(tag) =	ssettag $0x0;
	lr =	simm.s32 $0x1  }
0x2: {  	[smem:$0x3F9B] =	sst lr;
	_ =	strace $0xD0000000  }
0x3: {  	_ = 	snop  }
0x4: {  	_ = 	snop  }
0x5: {  	_ = 	snop  }
0x6: {  	_ = 	snop  }
0x7: {  	_ = 	snop  }
__scs_overlays_trampoline_lowered:
0x8: {  	[smem:$0x3FAA] =	sst s0  }
0x9: {  	[smem:$0x3FAB] =	sst s1  }
0xa: {  	[smem:$0x3FAC] =	sst s2  }
0xb: {  	[smem:$0x3FAD] =	sst s3  }
0xc: {  	[smem:$0x3FAE] =	sst s4  }
0xd: {  	[smem:$0x3FAF] =	sst s5  }
0xe: {  	[smem:$0x3FB0] =	sst s6  }
0xf: {  	[smem:$0x3FB1] =	sst s7  }
0x10: {  	[smem:$0x3FB2] =	sst s8  }
0x11: {  	[smem:$0x3FB3] =	sst s9;
	s0 =	simm.s32 @!p0 $0x0  }
0x12: {  	s1 =	sld [smem:$0x3F99];
	s0 =	simm.s32 @p0 $0x1  }
0x13: {  	[smem:$0x3FB4] =	sst s0;
	s0 =	simm.s32 @!p1 $0x0  }
0x14: {  	s2 =	sld [smem:$0x3F98];
	s0 =	simm.s32 @p1 $0x1  }
0x15: {  	[smem:$0x3FB5] =	sst s0;
	s0 =	simm.s32 @!p2 $0x0  }
0x16: {  	s3 =	sld [smem:$0x3FDB];
	s0 =	simm.s32 @p2 $0x1  }
0x17: {  	s4 =	simm.s32 $0x1BF5;
	[smem:$0x3FB7] =	sst s0  }
0x18: {  	s0 =	sld [smem:$0x3F9A];
	_ =	swait.ge [sflag:s4], $0x0  }
0x19: {  	s7 =	sld [smem:$0x3F9B]  }
0x1a: {  	s8 =	sadd.s32 $0xFFFFE003, lr  }
0x1b: {  	s9 =	sadd.s32 $0xFFFFFEF7, lr;
	s5 =	simm.s32 $0xFFFFFFFF;
	p2 =	slt.u32 s8, $0xFFFFF086  }
0x1c: {  	p1 =	slt.u32 s9, $0xF7A;
	s5 =	simm.s32 @!p2 $0x0  }
0x1d: {  	s5 =	simm.s32 @p1 $0x1;
	p0 =	seq.s32 s7, s2  }
0x1e: {  	s7 =	smul.u32 @!p0 $0xF7A, s2;
	p2 =	seq.s32 @!p0 s5, $0x0  }
0x1f: {  	s9 =	smul.u32 $0xF7A, s1;
	s8 =	simm.s32 @!p0 $0x1BF5;
	p2 =	por !p2, p0  }
0x20: {  	[sflag:s8] =	ssyncset.s32 @!p0 $0xFFFFF086;
	s6 =	sadd.s32 @!p0 s3, s7;
	s7 =	simm.s32 @!p0 $0x108  }
0x21: {  	s3 =	sadd.s32 s3, s9;
	s6 =	sadd.s32 @!p0 $0x88, s6;
	s7 =	simm.s32 @p2 $0x1082  }
0x22: {  	[simem:s7], [sflag:s8] =	dma.local @!p0 [hbm:s6], $0xF7A  }
0x23: {  	s9 =	sor.u32 $0xD0000000, s2;
	s6 =	simm.s32 $0x108;
	_ =	swait.ge @!p0 [sflag:s8], $0x0  }
0x24: {  	s3 =	sadd.s32 $0x88, s3;
	s6 =	simm.s32 @!p1 $0x1082;
	[sflag:s4] =	ssyncset.s32 $0xFFFFF086  }
0x25: {  	[simem:s6], [sflag:s4] =	dma.local [hbm:s3], $0xF7A  }
0x26: {  	[smem:$0x3F9B] =	sst s1;
	(tag) =	ssettag s2;
	_ =	strace s9  }
0x27: {  	s1 =	sld [smem:$0x3FAB]  }
0x28: {  	s2 =	sld [smem:$0x3FAC]  }
0x29: {  	s4 =	sld [smem:$0x3FAE]  }
0x2a: {  	p0 =	seq.s32 s5, $0x0;
	s5 =	sld [smem:$0x3FAF]  }
0x2b: {  	s6 =	sld [smem:$0x3FB0]  }
0x2c: {  	s7 =	sld [smem:$0x3FB1]  }
0x2d: {  	s3 =	simm.s32 $0x108;
	s8 =	sld [smem:$0x3FB2]  }
0x2e: {  	s3 =	simm.s32 @!p0 $0x1082;
	s9 =	sld [smem:$0x3FB3]  }
0x2f: {  	lr =	sadd.s32 s0, s3;
	s0 =	sld [smem:$0x3FAA]  }
0x30: {  	s3 =	sld [smem:$0x3FAD]  }
0x31: {  	[smem:$0x3FB6] =	sst s10  }
0x32: {  	s10 =	sld [smem:$0x3FB4];
	_ =	sdelay $0x3  }
0x33: {  	p0 =	seq.s32 s10, $0x1;
	s10 =	sld [smem:$0x3FB6];
	_ =	sdelay $0x3  }
0x34: {  	[smem:$0x3FB6] =	sst s10  }
0x35: {  	s10 =	sld [smem:$0x3FB5];
	_ =	sdelay $0x3  }
0x36: {  	p1 =	seq.s32 s10, $0x1;
	s10 =	sld [smem:$0x3FB6];
	_ =	sdelay $0x3  }
0x37: {  	[smem:$0x3FB6] =	sst s10  }
0x38: {  	s10 =	sld [smem:$0x3FB7]  }
0x39: {  	_ = 	snop;
	(pc) =	sbr.ind lr, $3  }
0x3a: {  	_ = 	snop  }
0x3b: {  	_ = 	snop  }
0x3c: {  	p2 =	seq.s32 s10, $0x1;
	s10 =	sld [smem:$0x3FB6]  }
0x3d: {  	_ =	shalt  }
0x3e: {  	_ =	shalt  }
0x3f: {  	_ =	shalt  }
0x40: {  	_ =	shalt  }
0x41: {  	_ =	shalt  }
0x42: {  	_ =	shalt  }
0x43: {  	_ =	shalt  }
0x44: {  	_ =	shalt  }
0x45: {  	_ =	shalt  }
0x46: {  	_ =	shalt  }
0x47: {  	_ =	shalt  }
0x48: {  	_ =	shalt  }
0x49: {  	_ =	shalt  }
0x4a: {  	_ =	shalt  }
0x4b: {  	_ =	shalt  }
0x4c: {  	_ =	shalt  }
0x4d: {  	_ =	shalt  }
0x4e: {  	_ =	shalt  }
0x4f: {  	_ =	shalt  }
0x50: {  	_ =	shalt  }
0x51: {  	_ =	shalt  }
0x52: {  	_ =	shalt  }
0x53: {  	_ =	shalt  }
0x54: {  	_ =	shalt  }
0x55: {  	_ =	shalt  }
0x56: {  	_ =	shalt  }
0x57: {  	_ =	shalt  }
0x58: {  	_ =	shalt  }
0x59: {  	_ =	shalt  }
0x5a: {  	_ =	shalt  }
0x5b: {  	_ =	shalt  }
0x5c: {  	_ =	shalt  }
0x5d: {  	_ =	shalt  }
0x5e: {  	_ =	shalt  }
0x5f: {  	_ =	shalt  }
0x60: {  	_ =	shalt  }
0x61: {  	_ =	shalt  }
0x62: {  	_ =	shalt  }
0x63: {  	_ =	shalt  }
0x64: {  	_ =	shalt  }
0x65: {  	_ =	shalt  }
0x66: {  	_ =	shalt  }
0x67: {  	_ =	shalt  }
0x68: {  	_ =	shalt  }
0x69: {  	_ =	shalt  }
0x6a: {  	_ =	shalt  }
0x6b: {  	_ =	shalt  }
0x6c: {  	_ =	shalt  }
0x6d: {  	_ =	shalt  }
0x6e: {  	_ =	shalt  }
0x6f: {  	_ =	shalt  }
0x70: {  	_ =	shalt  }
0x71: {  	_ =	shalt  }
0x72: {  	_ =	shalt  }
0x73: {  	_ =	shalt  }
0x74: {  	_ =	shalt  }
0x75: {  	_ =	shalt  }
0x76: {  	_ =	shalt  }
0x77: {  	_ =	shalt  }
0x78: {  	_ =	shalt  }
0x79: {  	_ =	shalt  }
0x7a: {  	_ =	shalt  }
0x7b: {  	_ =	shalt  }
0x7c: {  	_ =	shalt  }
0x7d: {  	_ =	shalt  }
0x7e: {  	_ =	shalt  }
0x7f: {  	_ =	shalt  }
0x80: {  	_ =	shalt  }
0x81: {  	_ =	shalt  }
0x82: {  	_ =	shalt  }
0x83: {  	_ =	shalt  }
0x84: {  	_ =	shalt  }
0x85: {  	_ =	shalt  }
0x86: {  	_ =	shalt  }
0x87: {  	_ =	shalt  }
.Lfunc_end0:
.L_simem_size_0:
called_computation_lowered:
.L_overlay_start_0:
0x88: {  	s2 =	sld [smem:$0x3FD9]  }
0x89: {  	s3 =	sld [smem:$0x3FFE];
	_ =	sdelay $0x1  }
0x8a: {  	s1 =	srdreg.scid  }
0x8b: {  	s0 =	sand.u32 $0x1, s1  }
0x8c: {  	s17 =	sshll.u32 s0, $0xA;
	s2 =	sadd.s32 s3, s2  }
0x8d: {  	s2 =	sadd.s32 s2, s17  }
0x8e: {  	[smem:$0x3FC2] =	sst s2  }
0x8f: {  	_ = 	snop  }
0x90: {  	s2 =	sld [smem:$0x3FD0];
	(tm) =	ssettm $0x1  }
0x91: {  	s18 =	sld [smem:$0x3FFB];
	_ =	sdelay $0x3  }
0x92: {  	_ =	strace s18  }
0x93: {  	s3 =	sld [smem:$0x3FFC];
	_ =	sdelay $0x3  }
0x94: {  	_ =	strace s3  }
0x95: {  	s3 =	sld [smem:$0x3FFD];
	_ =	sdelay $0x3  }
0x96: {  	_ =	strace s3  }
0x97: {  	_ =	strace $0x8FFFFFFF  }
0x98: {  	s19 =	sld [smem:$0x3FDB];
	_ =	sdelay $0x1  }
0x99: {  	s4 =	simm.s32 $_scs_section_size  }
0x9a: {  	s5 =	simm.s32 $_size__tile_overlayer_lowered;
	s6 =	simm.s32 $_tile_overlayer_lowered  }
0x9b: {  	s22 =	simm.s32 $0x1BFF;
	s21 =	sshll.u32 s6, $0x1;
	s3 =	sadd.s32 s4, s19  }
0x9c: {  	s7 =	simm.s32 $0x0;
	s20 =	sshll.u32 s5, $0x1;
	s5 =	sadd.s32 s21, s3  }
0x9d: {  	[timem:s7], [sflag:s22] =	dma.local [hbm:s5], s20  }
0x9e: {  	_ =	swait.ge [sflag:s22], s20  }
0x9f: {  	s4 =	ssub.s32 $0x0, s20;
	[sflag:s22] =	ssyncset.done $0x0  }
0xa0: {  	[sflag:s22] =	ssyncadd.s32 s4;
	_ =	sdelay $0x1  }
0xa1: {  	s23 =	simm.s32 $0x1B8B  }
0xa2: {  	_ =	swait.ge [sflag:s23], $0x1  }
0xa3: {  	[sflag:s23] =	ssyncset.done $0x0  }
0xa4: {  	s25 =	simm.s32 $0x1B8E;
	s24 =	sld [smem:$0x3FFE];
	[sflag:s23] =	ssyncadd.s32 $0xFFFFFFFF  }
0xa5: {  	s26 =	simm.s32 $execute0_lowered;
	[smem:$0x3FD2] =	sst s25  }
0xa6: {  	s5 =	sshll.u32 s26, $0x1;
	_ =	strace $0x80000046;
	[dreg:$0x1] =	wrdreg $0xFFFFFFFF  }
0xa7: {  	s28 =	simm.s32 $_size_execute0_lowered;
	s3 =	sadd.s32 s3, s5;
	[dreg:$0x0] =	wrdreg $0x0  }
0xa8: {  	s5 =	sshll.u32 s28, $0x1;
	[dreg:$0x2] =	wrdreg s3  }
0xa9: {  	[dreg:$0x3] =	wrdreg s5  }
0xaa: {  	[dreg:$0x4] =	wrdreg $0xC0  }
0xab: {  	_ =	task [dreg:s7], $0x5FFFF  }
0xac: {  	[dreg:$0x1] =	wrdreg $0xFFFFFFFF  }
0xad: {  	[dreg:$0x0] =	wrdreg $0x60  }
0xae: {  	[dreg:$0x2] =	wrdreg s2  }
0xaf: {  	[dreg:$0x3] =	wrdreg s24  }
0xb0: {  	[dreg:$0x4] =	wrdreg $0x68000  }
0xb1: {  	[dreg:$0x5] =	wrdreg $0x9  }
0xb2: {  	_ =	task.clear_ibuf [dreg:s7], $0x6FFFF;
	_ =	strace $0x90000046  }
0xb3: {  	s29 =	simm.s32 $0x9;
	_ =	strace $0x80000048  }
0xb4: {  	_ =	swait.ge [sflag:s29], $0x1  }
0xb5: {  	[sflag:s29] =	ssyncadd.s32 $0xFFFFFFFF  }
0xb6: {  	_ =	strace $0x90000048  }
0xb7: {  	_ =	sfence  }
0xb8: {  	s30 =	sld [smem:$0x0];
	_ =	sdelay $0x2  }
0xb9: {  	s31 =	sshll.u32 s1, $0xD;
	s1 =	sshrl.u32 s1, $0x2  }
0xba: {  	s3 =	sand.u32 $0x4000, s31;
	s1 =	sadd.s32 s1, s30  }
0xbb: {  	s0 =	sor.u32 s3, s0;
	s1 =	sshll.u32 s1, $0x11  }
0xbc: {  	s0 =	sor.u32 s1, s0  }
0xbd: {  	s0 =	sadd.s32 $0x8F2B, s0  }
0xbe: {  	[sflag:s0] =	ssyncadd.remote.s32 $0x1  }
0xbf: {  	_ =	sfence.sel $0xFFFF  }
0xc0: {  	[dreg:$0x0] =	wrdreg $0xFFFFFFFF;
	(pc) =	sbr.abs _section_cstart, $3  }
0xc1: {  	[dreg:$0x1] =	wrdreg $0xFFFFFFFF  }
0xc2: {  	_ =	task.clear_ibuf [dreg:s7], $0x2FFFF;
	_ =	strace $0x9FFFFFFF  }
0xc3: {  	(tm) =	ssettm $0x7FFFFFFF  }
tec
execute0_lowered:
.L_overlay_start_1:
0x0: {  	(tag) =	ssettag $0x1  }
0x1: {  	s7 =	rddreg [dreg:$0x0]  }
0x2: {  	s6 =	rddreg [dreg:$0x1]  }
0x3: {  	s1 =	rddreg [dreg:$0x2]  }
0x4: {  	s2 =	srdreg.scid;
	s0 =	rddreg [dreg:$0x3];
	s3 =	simm.s32 $0x0  }
0x5: {  	s12 =	simm.s32 $0x2800;
	s13 =	simm.s32 $0x80;
	s8 =	sand.u32 $0x1, s2  }
0x6: {  	s14 =	simm.s32 $0x0;
	s2 =	stileid.u32;
	s9 =	smul.u32 $0x140000, s8  }
0x7: {  	[smem:$0x7FF] =	sst s3;
	s4 =	sadd.s32 $0x1E00, s6;
	s10 =	smul.u32 $0x14000, s2  }
0x8: {  	s5 =	sadd.s32 $0x2600, s6;
	_ =	strace $0x80000047;
	s26 =	smul.u32 $0x50000, s2  }
0x9: {  	s11 =	sshll.u32 s8, $0x4;
	s28 =	ssub.s32 $0x2, s8;
	s31 =	sshll.u32 s2, $0x6  }
0xa: {  	s29 =	sor.u32 s2, s11;
	s30 =	sshrl.u32 s28, $0x1;
	s9 =	sadd.s32 s10, s9  }
0xb: {  	s10 =	sshrl.u32 s26, $0x2;
	s8 =	smul.u32 $0x500, s29;
	s9 =	sshrl.u32 s9, $0x3  }
0xc: {  	s11 =	ssub.s32 s28, s30;
	s10 =	sadd.s32 s10, s1;
	s9 =	sadd.s32 s9, s6  }
0xd: {  	s6 =	sor.u32 $0x1C01, s31;
	s7 =	sadd.s32 s7, s8;
	s10 =	sshrl.u32 s10, $0x3  }
0xe: {  	s8 =	sadd.s32 $0x4E00, s9;
	s9 =	smax.u32 s11, $0x1;
	s11 =	simm.s32 $0x1  }
.LBB2_1:
0xf: {  	[spmem:s10], [sflag:s6] =	dma.local [hbm:s5], $0x2800  }
0x10: {  	_ =	swait.ge [sflag:s11], $0x2800  }
0x11: {  	[sflag:s11] =	ssyncset.done $0x0  }
0x12: {  	[sflag:s11] =	ssyncadd.s32 $0xFFFFD800  }
0x13: {  	[tilespmem:s12], [sflag:$0x1] =	stream.linear.gather [hbm4b:s4+s3], $0x4000, $0x38;
	[tilespmem:$0x1A800] =	vst v63  }
0x14: {  	_ =	swait.ge [sflag:s11], $0x4000  }
0x15: {  	[sflag:s11] =	ssyncset.done $0x0  }
0x16: {  	[sflag:s11] =	ssyncadd.s32 $0xFFFFC000  }
0x17: {  	[tilespmem:s3], [sflag:$0x1] =	stream.linear.gather [hbm4b:s7+s3], $0x2800, $0x38;
	[tilespmem:$0x1A800] =	vst v63  }
0x18: {  	_ =	swait.ge [sflag:s11], $0x2800  }
0x19: {  	[sflag:s11] =	ssyncset.done $0x0  }
0x1a: {  	[sflag:s11] =	ssyncadd.s32 $0xFFFFD800  }
0x1b: {  	s15 =	simm.s32 $0x0;
	[bflag:$0x0] =	sbarrier.arrive $0xFFFF  }
0x1c: {  	[spmem:s1] =	stream.indirect.scatter.add.f32 [tilespmem:s12], [sflag:$0x1], $0x80, s15, s13, $0xb8;
	[tilespmem:$0x1A800] =	vst v63  }
0x1d: {  	_ =	swait.ge [sflag:s11], $0x4000  }
0x1e: {  	s15 =	simm.s32 $0x200;
	[sflag:s11] =	ssyncset.done $0x0  }
.LBB2_2:
0x1f: {  	s16 =	sshra.s32 s15, $0x2;
	[sflag:s11] =	ssyncadd.s32 $0xFFFFC000;
	p0 =	sne.s32 s15, $0x9E00  }
0x20: {  	[spmem:s1] =	stream.indirect.scatter.add.f32 [tilespmem:s12], [sflag:$0x1], $0x80, s16, s13, $0xb8;
	[tilespmem:$0x1A800] =	vst v63  }
.Ltmp0:
0x21: {  	_ = 	snop;
	(pc) =	sbr.rel @p0 .LBB2_2-.Ltmp0, $4  }
0x22: {  	_ = 	snop  }
0x23: {  	s15 =	sadd.s32 $0x200, s15  }
0x24: {  	_ =	swait.ge [sflag:s11], $0x4000  }
0x25: {  	[sflag:s11] =	ssyncset.done $0x0  }
0x26: {  	s14 =	sadd.s32 $0x1, s14  }
0x27: {  	[sflag:s11] =	ssyncadd.s32 $0xFFFFC000;
	p0 =	sne.s32 s14, s9  }
.Ltmp1:
0x28: {  	[bflag:$0x0] =	sbarrier.arrive $0xFFFF;
	(pc) =	sbr.rel @p0 .LBB2_1-.Ltmp1, $4  }
0x29: {  	[hbm:s8], [sflag:s6] =	dma.local [spmem:s10], $0x2800  }
0x2a: {  	_ =	swait.ge [sflag:s11], $0x2800  }
0x2b: {  	[sflag:s11] =	ssyncset.done $0x0  }
0x2c: {  	[sflag:s11] =	ssyncadd.s32 $0xFFFFD800  }
0x2d: {  	_ =	sfence.sel $0x180000  }
0x2e: {  	[bflag:$0x0] =	sbarrier.arrive $0xFFFF  }
0x2f: {  	p0 =	sne.s32 s2, $0x0;
	_ =	strace $0x90000047  }
0x30: {  	s0 =	sadd.s32 @!p0 $0x100000, s0;
	[bflag:$0x2] =	sbarrier.arrive $0xFFFF  }
0x31: {  	[sflag:s0] =	ssyncadd.tile.s32 @!p0 $0x1;
	_ =	shalt  }
.Lfunc_end2:
_tile_overlayer_lowered:
.L_overlay_start_2:
0x32: {  	(tag) =	ssettag $0x2  }
0x33: {  	s0 =	rddreg [dreg:$0x0];
	s2 =	stileid.u32  }
0x34: {  	s1 =	rddreg [dreg:$0x1];
	p0 =	sne.s32 s2, $0x0  }
0x35: {  	s3 =	rddreg [dreg:$0x2];
	[bflag:$0x3] =	sbarrier.arrive $0xFFFF;
	s2 =	simm.s32 @!p0 $0x1C01  }
0x36: {  	[timem:s3], [sflag:s2] =	dma.local @!p0 [hbm:s0], s1  }
0x37: {  	s0 =	simm.s32 @!p0 $0x1  }
0x38: {  	_ =	swait.ge @!p0 [sflag:s0], s1  }
0x39: {  	s1 =	ssub.s32 @!p0 $0x0, s1;
	[sflag:s0] =	ssyncset.done @!p0 $0x0  }
0x3a: {  	[sflag:s0] =	ssyncadd.s32 @!p0 s1  }
0x3b: {  	[bflag:$0x3] =	sbarrier.arrive $0xFFFF  }
0x3c: {  	_ =	shalt  }

</sc_bundles>
